<compile_context>
chip_gen: v7x
topology: tpu7x:2x2x1
jax: 0.10.2.dev20260603
libtpu: 0.0.44.dev20260713+nightly
codegen_flags: <defaults>
</compile_context>

<pallas_src>
import functools

import jax
import jax.numpy as jnp
from jax import lax
from jax.experimental import pallas as pl
from jax.experimental.pallas import tpu as pltpu
from jax.experimental.pallas import tpu_sc as plsc

N_NODES = 10000
N_LAT = 32
MU = 16
N_BATCH = 4

BLK = 2000
LANES = MU * N_LAT

_SC_WORKERS = 32
_SC_ROWS = N_NODES * MU // _SC_WORKERS
_SC_CHUNK = 1000



def _encode_body(x_ref, w_ref, b_ref, out_ref):
    enc = lax.dot_general(x_ref[...], w_ref[...],
                          (((1,), (1,)), ((), ())),
                          preferred_element_type=jnp.float32)
    out_ref[...] = enc + b_ref[...]


def _encode(x, enc_W, enc_b2):
    return pl.pallas_call(
        _encode_body,
        out_shape=jax.ShapeDtypeStruct((N_BATCH, N_LAT), jnp.float32),
    )(x, enc_W, enc_b2)



_ICHUNK = 8


def _bw_body(enc_ref, l_ref, sig_ref):
    E = enc_ref[...]
    l8 = l_ref[...].reshape(_ICHUNK * N_LAT, N_NODES)
    nrow = _ICHUNK * N_BATCH
    ncol = _ICHUNK * N_LAT
    erep = jnp.concatenate([E] * _ICHUNK, axis=0)
    erep = jnp.concatenate([erep] * _ICHUNK, axis=1)
    r_iota = lax.broadcasted_iota(jnp.int32, (nrow, ncol), 0)
    c_iota = lax.broadcasted_iota(jnp.int32, (nrow, ncol), 1)
    ebig = jnp.where(r_iota // N_BATCH == c_iota // N_LAT, erep, 0.0)
    logit = lax.dot_general(ebig, l8, (((1,), (0,)), ((), ())),
                            preferred_element_type=jnp.float32)
    s = jax.nn.sigmoid(logit) * MU
    sig_ref[0] = jnp.transpose(s, (1, 0))


def _bandwidths(encoded, bandwidth_layers):
    return pl.pallas_call(
        _bw_body,
        grid=(N_LAT // _ICHUNK,),
        in_specs=[
            pl.BlockSpec((N_BATCH, N_LAT), lambda i: (0, 0)),
            pl.BlockSpec((_ICHUNK, N_LAT, N_NODES), lambda i: (i, 0, 0)),
        ],
        out_specs=pl.BlockSpec((1, N_NODES, _ICHUNK * N_BATCH),
                               lambda i: (i, 0, 0)),
        out_shape=jax.ShapeDtypeStruct((N_LAT // _ICHUNK, N_NODES,
                                        _ICHUNK * N_BATCH), jnp.float32),
    )(encoded, bandwidth_layers)



def _gather_body(table_hbm, idx_hbm, out_hbm, idx_v, rows_v, sem):
    wid = lax.axis_index("s") * 2 + lax.axis_index("c")
    base = wid * _SC_ROWS
    for c in range(_SC_ROWS // _SC_CHUNK):
        off = base + c * _SC_CHUNK
        pltpu.sync_copy(idx_hbm.at[pl.ds(off, _SC_CHUNK)], idx_v)
        pltpu.async_copy(table_hbm.at[idx_v], rows_v, sem).wait()
        pltpu.sync_copy(rows_v, out_hbm.at[pl.ds(off, _SC_CHUNK)])


def _gather(table, idx):
    mesh = plsc.VectorSubcoreMesh(core_axis_name="c", subcore_axis_name="s")
    kfn = functools.partial(
        pl.kernel, mesh=mesh,
        out_type=jax.ShapeDtypeStruct((N_NODES * MU, N_LAT), jnp.float32),
        scratch_types=[
            pltpu.VMEM((_SC_CHUNK,), jnp.int32),
            pltpu.VMEM((_SC_CHUNK, N_LAT), jnp.float32),
            pltpu.SemaphoreType.DMA,
        ],
        compiler_params=pltpu.CompilerParams(use_tc_tiling_on_sc=False),
    )(_gather_body)
    return kfn(table, idx)



def _main_body(enc_ref, sig_ref, g_ref, out_ref):
    E = enc_ref[...]
    G = g_ref[...]

    nchunk = N_LAT // _ICHUNK
    s128 = jnp.concatenate([sig_ref[c] for c in range(nchunk)], axis=1)
    r_iota = lax.broadcasted_iota(jnp.int32, (128, 128), 0)
    c_iota = lax.broadcasted_iota(jnp.int32, (128, 128), 1)
    perm = jnp.where(c_iota == (r_iota % N_BATCH) * N_LAT
                     + _ICHUNK * (r_iota // 32) + (r_iota // N_BATCH) % _ICHUNK,
                     1.0, 0.0)
    sp = lax.dot_general(s128, perm, (((1,), (0,)), ((), ())),
                         preferred_element_type=jnp.float32)

    jv = (lax.broadcasted_iota(jnp.int32, (1, LANES), 1) // N_LAT
          ).astype(jnp.float32)
    jsq = jv * jv
    sr_iota = lax.broadcasted_iota(jnp.int32, (LANES, N_LAT), 0)
    sc_iota = lax.broadcasted_iota(jnp.int32, (LANES, N_LAT), 1)
    sel = jnp.where(sr_iota % N_LAT == sc_iota, 1.0, 0.0)

    cols = []
    for b in range(N_BATCH):
        s = sp[:, b * N_LAT:(b + 1) * N_LAT]
        srep = jnp.concatenate([s] * MU, axis=1)
        win = jnp.maximum(1.0 - jsq / (srep * srep), 0.0)
        num = lax.dot_general(win * G, sel, (((1,), (0,)), ((), ())),
                              preferred_element_type=jnp.float32)
        p = jnp.minimum(jnp.floor(s) + 1.0, 16.0)
        den = p - ((p - 1.0) * p * (2.0 * p - 1.0) / 6.0) / (s * s)
        contrib = (num / den) * E[b:b + 1, :]
        cols.append(jnp.sum(contrib, axis=1, keepdims=True))
    out_ref[...] = jnp.concatenate(cols, axis=1)


def _main(encoded, sig, g2):
    return pl.pallas_call(
        _main_body,
        grid=(N_NODES // BLK,),
        in_specs=[
            pl.BlockSpec((N_BATCH, N_LAT), lambda j: (0, 0)),
            pl.BlockSpec((N_LAT // _ICHUNK, BLK, _ICHUNK * N_BATCH),
                         lambda j: (0, j, 0)),
            pl.BlockSpec((BLK, LANES), lambda j: (j, 0)),
        ],
        out_specs=pl.BlockSpec((BLK, N_BATCH), lambda j: (j, 0)),
        out_shape=jax.ShapeDtypeStruct((N_NODES, N_BATCH), jnp.float32),
    )(encoded, sig, g2)



def kernel(x, neighbours, enc_W, enc_b, decoder, bandwidth_layers):
    encoded = _encode(x, enc_W, enc_b.reshape(1, N_LAT))
    sig = _bandwidths(encoded, bandwidth_layers)
    table = decoder.T
    idx = neighbours.reshape(N_NODES * MU)
    gathered = _gather(table, idx)
    g2 = gathered.reshape(N_NODES, LANES)
    out_t = _main(encoded, sig, g2)
    return out_t.T

# --- scband reference (transcript-rebuilt; emitter-appended) ---
"""Pipeline reference for scband-nrbs-29824252903580 (READ-ONLY COPY).

The authoritative reference and input builder live on the scoring server;
editing this copy changes nothing except your own understanding.
"""

import jax, jax.numpy as jnp
import numpy as np

N = 10000
n = 32
mu = 16
B = 4

def setup_inputs(seed: int = 0) -> dict:
    key = jax.random.key(seed)
    ks = jax.random.split(key, 6)
    x = jax.random.normal(ks[0], (B, N), dtype=jnp.float32)
    neighbours = jax.random.randint(ks[1], (N, mu), 0, N, dtype=jnp.int32)
    enc_W = jax.random.normal(ks[2], (n, N), dtype=jnp.float32) * (1.0 / np.sqrt(N))
    enc_b = jax.random.normal(ks[3], (n,), dtype=jnp.float32) * 0.01
    decoder = jax.random.uniform(ks[4], (n, N), minval=-0.01, maxval=0.01, dtype=jnp.float32)
    bandwidth_layers = jax.random.uniform(ks[5], (n, n, N), minval=-0.01, maxval=0.01, dtype=jnp.float32)
    return {"x": x, "neighbours": neighbours, "enc_W": enc_W, "enc_b": enc_b,
            "decoder": decoder, "bandwidth_layers": bandwidth_layers}

def reference(x, neighbours, enc_W, enc_b, decoder, bandwidth_layers):
    # encode: torch.nn.Linear(N, n)
    encoded = x @ enc_W.T + enc_b                      # [B, n]
    # bandwidths: bmm(encoded.repeat(n,1,1), bandwidth_layers).permute(1,0,2)
    # bandwidth_layers: [n, n, N]; result [B, n, N]
    bw = jax.nn.sigmoid(jnp.einsum('bk,ikm->bim', encoded, bandwidth_layers))  # [B, n, N]
    # bubble(w): x=arange(mu); relu(-x^2/(w*mu)^2 + 1); normalize
    xr = jnp.arange(mu, dtype=jnp.float32)             # [mu]
    win = jax.nn.relu(1.0 - (xr ** 2) / (bw[..., None] * mu) ** 2)  # [B, n, N, mu]
    bubbles = win / jnp.sum(win, axis=-1, keepdims=True)
    # smooth_basis: for i: (decoder[i][neighbours] * bubbles[:, i]).sum(-1) -> stack dim=1
    gathered = decoder[:, neighbours]                  # [n, N, mu] gather
    smoothed = jnp.einsum('inm,binm->bin', gathered, bubbles)  # [B, n, N]
    # bmm(encoded[:,None,:], smoothed).squeeze(1)
    out = jnp.einsum('bi,bim->bm', encoded, smoothed)  # [B, N]
    return out

if False:  # reference __main__ guard neutralized (emitter)
    inp = setup_inputs()
    out = reference(**inp)
    print(out.shape, out.dtype)

if __name__ == "__main__":
    import jax
    _d = setup_inputs()
    print(jax.jit(kernel)(*tuple(_d.values())))

</pallas_src>

<mosaic_0001>
#map = affine_map<(d0, d1) -> (0, 0)>
#map1 = affine_map<(d0, d1) -> (0)>
module attributes {stable_mosaic.version = 14 : i64} {
  func.func @_gather_body(%arg0: i32, %arg1: i32, %arg2: memref<10000x32xf32, #tpu.memory_space<hbm>>, %arg3: memref<160000xi32, #tpu.memory_space<hbm>>, %arg4: memref<160000x32xf32, #tpu.memory_space<hbm>>, %arg5: memref<1000xi32, #tpu.memory_space<vmem>>, %arg6: memref<1000x32xf32, #tpu.memory_space<vmem>>, %arg7: memref<!tpu.dma_semaphore, #tpu.memory_space<semaphore_mem>>) attributes {dimension_semantics = [#tpu.dimension_semantics<core_parallel>, #tpu.dimension_semantics<subcore_parallel>], iteration_bounds = array<i64: 2, 16>, scalar_prefetch = 0 : i64, scratch_operands = 3 : i64, tpu.core_type = #tpu.core_type<sc_vector_subcore>, window_params = [{transform_indices = #map}, {transform_indices = #map1}, {transform_indices = #map}]} {
    %mul3A = arith.constant 2 : i32
    %mul3A_0 = arith.muli %arg1, %mul3A : i32
    %add3A = arith.addi %mul3A_0, %arg0 : i32
    %mul3A_1 = arith.constant 5000 : i32
    %mul3A_2 = arith.muli %add3A, %mul3A_1 : i32
    %add3A_3 = arith.constant 0 : i32
    %add3A_4 = arith.addi %mul3A_2, %add3A_3 : i32
    "tpu.region"() ({
      %run_scoped3A = tpu.sem_alloc : memref<!tpu.dma_semaphore, #tpu.memory_space<semaphore_mem>>
      %dma_start3A_41 = tpu.memref_slice %arg3[%add3A_4] : memref<160000xi32, #tpu.memory_space<hbm>> -> memref<1000xi32, #tpu.memory_space<hbm>>
      %dma_start3A_42 = tpu.memref_slice %arg3[%add3A_4] : memref<160000xi32, #tpu.memory_space<hbm>> -> memref<1000xi32, #tpu.memory_space<hbm>>
      tpu.enqueue_dma source(%dma_start3A_42 : memref<1000xi32, #tpu.memory_space<hbm>>) target(%arg5 : memref<1000xi32, #tpu.memory_space<vmem>>) target_semaphore(%run_scoped3A : memref<!tpu.dma_semaphore, #tpu.memory_space<semaphore_mem>>)
      %dma_wait3A_43 = tpu.memref_slice %arg3[%add3A_4] : memref<160000xi32, #tpu.memory_space<hbm>> -> memref<1000xi32, #tpu.memory_space<hbm>>
      %dma_wait3A_44 = tpu.memref_slice %arg3[%add3A_4] : memref<160000xi32, #tpu.memory_space<hbm>> -> memref<1000xi32, #tpu.memory_space<hbm>>
      tpu.wait_dma2 semaphore(%run_scoped3A : memref<!tpu.dma_semaphore, #tpu.memory_space<semaphore_mem>>) src(%dma_wait3A_44 : memref<1000xi32, #tpu.memory_space<hbm>>) dst(%arg5 : memref<1000xi32, #tpu.memory_space<vmem>>)
      tpu.yield
    }) : () -> ()
    %dma_start3A = arith.constant 0 : i32
    %dma_start3A_5 = arith.constant 0 : i32
    %dma_start3A_6 = tpu.memref_slice %arg2[%dma_start3A, %dma_start3A_5] : memref<10000x32xf32, #tpu.memory_space<hbm>> -> memref<10000x32xf32, #tpu.memory_space<hbm>>
    tpu.enqueue_indirect_dma source(%dma_start3A_6 : memref<10000x32xf32, #tpu.memory_space<hbm>>) target(%arg6 : memref<1000x32xf32, #tpu.memory_space<vmem>>) offsets(%arg5 : memref<1000xi32, #tpu.memory_space<vmem>>) semaphore(%arg7 : memref<!tpu.dma_semaphore, #tpu.memory_space<semaphore_mem>>)
    %dma_wait3A = arith.constant 0 : i32
    %dma_wait3A_7 = arith.constant 0 : i32
    %dma_wait3A_8 = tpu.memref_slice %arg2[%dma_wait3A, %dma_wait3A_7] : memref<10000x32xf32, #tpu.memory_space<hbm>> -> memref<10000x32xf32, #tpu.memory_space<hbm>>
    tpu.wait_indirect_dma semaphore(%arg7 : memref<!tpu.dma_semaphore, #tpu.memory_space<semaphore_mem>>) src(%dma_wait3A_8 : memref<10000x32xf32, #tpu.memory_space<hbm>>) dst(%arg6 : memref<1000x32xf32, #tpu.memory_space<vmem>>)
    "tpu.region"() ({
      %run_scoped3A = tpu.sem_alloc : memref<!tpu.dma_semaphore, #tpu.memory_space<semaphore_mem>>
      %dma_start3A_41 = arith.constant 0 : i32
      %dma_start3A_42 = tpu.memref_slice %arg4[%add3A_4, %dma_start3A_41] : memref<160000x32xf32, #tpu.memory_space<hbm>> -> memref<1000x32xf32, #tpu.memory_space<hbm>>
      %dma_start3A_43 = arith.constant 0 : i32
      %dma_start3A_44 = tpu.memref_slice %arg4[%add3A_4, %dma_start3A_43] : memref<160000x32xf32, #tpu.memory_space<hbm>> -> memref<1000x32xf32, #tpu.memory_space<hbm>>
      tpu.enqueue_dma source(%arg6 : memref<1000x32xf32, #tpu.memory_space<vmem>>) target(%dma_start3A_44 : memref<1000x32xf32, #tpu.memory_space<hbm>>) target_semaphore(%run_scoped3A : memref<!tpu.dma_semaphore, #tpu.memory_space<semaphore_mem>>)
      %dma_wait3A_45 = arith.constant 0 : i32
      %dma_wait3A_46 = tpu.memref_slice %arg4[%add3A_4, %dma_wait3A_45] : memref<160000x32xf32, #tpu.memory_space<hbm>> -> memref<1000x32xf32, #tpu.memory_space<hbm>>
      %dma_wait3A_47 = arith.constant 0 : i32
      %dma_wait3A_48 = tpu.memref_slice %arg4[%add3A_4, %dma_wait3A_47] : memref<160000x32xf32, #tpu.memory_space<hbm>> -> memref<1000x32xf32, #tpu.memory_space<hbm>>
      tpu.wait_dma2 semaphore(%run_scoped3A : memref<!tpu.dma_semaphore, #tpu.memory_space<semaphore_mem>>) src(%arg6 : memref<1000x32xf32, #tpu.memory_space<vmem>>) dst(%dma_wait3A_48 : memref<1000x32xf32, #tpu.memory_space<hbm>>)
      tpu.yield
    }) : () -> ()
    %add3A_9 = arith.constant 1000 : i32
    %add3A_10 = arith.addi %mul3A_2, %add3A_9 : i32
    "tpu.region"() ({
      %run_scoped3A = tpu.sem_alloc : memref<!tpu.dma_semaphore, #tpu.memory_space<semaphore_mem>>
      %dma_start3A_41 = tpu.memref_slice %arg3[%add3A_10] : memref<160000xi32, #tpu.memory_space<hbm>> -> memref<1000xi32, #tpu.memory_space<hbm>>
      %dma_start3A_42 = tpu.memref_slice %arg3[%add3A_10] : memref<160000xi32, #tpu.memory_space<hbm>> -> memref<1000xi32, #tpu.memory_space<hbm>>
      tpu.enqueue_dma source(%dma_start3A_42 : memref<1000xi32, #tpu.memory_space<hbm>>) target(%arg5 : memref<1000xi32, #tpu.memory_space<vmem>>) target_semaphore(%run_scoped3A : memref<!tpu.dma_semaphore, #tpu.memory_space<semaphore_mem>>)
      %dma_wait3A_43 = tpu.memref_slice %arg3[%add3A_10] : memref<160000xi32, #tpu.memory_space<hbm>> -> memref<1000xi32, #tpu.memory_space<hbm>>
      %dma_wait3A_44 = tpu.memref_slice %arg3[%add3A_10] : memref<160000xi32, #tpu.memory_space<hbm>> -> memref<1000xi32, #tpu.memory_space<hbm>>
      tpu.wait_dma2 semaphore(%run_scoped3A : memref<!tpu.dma_semaphore, #tpu.memory_space<semaphore_mem>>) src(%dma_wait3A_44 : memref<1000xi32, #tpu.memory_space<hbm>>) dst(%arg5 : memref<1000xi32, #tpu.memory_space<vmem>>)
      tpu.yield
    }) : () -> ()
    %dma_start3A_11 = arith.constant 0 : i32
    %dma_start3A_12 = arith.constant 0 : i32
    %dma_start3A_13 = tpu.memref_slice %arg2[%dma_start3A_11, %dma_start3A_12] : memref<10000x32xf32, #tpu.memory_space<hbm>> -> memref<10000x32xf32, #tpu.memory_space<hbm>>
    tpu.enqueue_indirect_dma source(%dma_start3A_13 : memref<10000x32xf32, #tpu.memory_space<hbm>>) target(%arg6 : memref<1000x32xf32, #tpu.memory_space<vmem>>) offsets(%arg5 : memref<1000xi32, #tpu.memory_space<vmem>>) semaphore(%arg7 : memref<!tpu.dma_semaphore, #tpu.memory_space<semaphore_mem>>)
    %dma_wait3A_14 = arith.constant 0 : i32
    %dma_wait3A_15 = arith.constant 0 : i32
    %dma_wait3A_16 = tpu.memref_slice %arg2[%dma_wait3A_14, %dma_wait3A_15] : memref<10000x32xf32, #tpu.memory_space<hbm>> -> memref<10000x32xf32, #tpu.memory_space<hbm>>
    tpu.wait_indirect_dma semaphore(%arg7 : memref<!tpu.dma_semaphore, #tpu.memory_space<semaphore_mem>>) src(%dma_wait3A_16 : memref<10000x32xf32, #tpu.memory_space<hbm>>) dst(%arg6 : memref<1000x32xf32, #tpu.memory_space<vmem>>)
    "tpu.region"() ({
      %run_scoped3A = tpu.sem_alloc : memref<!tpu.dma_semaphore, #tpu.memory_space<semaphore_mem>>
      %dma_start3A_41 = arith.constant 0 : i32
      %dma_start3A_42 = tpu.memref_slice %arg4[%add3A_10, %dma_start3A_41] : memref<160000x32xf32, #tpu.memory_space<hbm>> -> memref<1000x32xf32, #tpu.memory_space<hbm>>
      %dma_start3A_43 = arith.constant 0 : i32
      %dma_start3A_44 = tpu.memref_slice %arg4[%add3A_10, %dma_start3A_43] : memref<160000x32xf32, #tpu.memory_space<hbm>> -> memref<1000x32xf32, #tpu.memory_space<hbm>>
      tpu.enqueue_dma source(%arg6 : memref<1000x32xf32, #tpu.memory_space<vmem>>) target(%dma_start3A_44 : memref<1000x32xf32, #tpu.memory_space<hbm>>) target_semaphore(%run_scoped3A : memref<!tpu.dma_semaphore, #tpu.memory_space<semaphore_mem>>)
      %dma_wait3A_45 = arith.constant 0 : i32
      %dma_wait3A_46 = tpu.memref_slice %arg4[%add3A_10, %dma_wait3A_45] : memref<160000x32xf32, #tpu.memory_space<hbm>> -> memref<1000x32xf32, #tpu.memory_space<hbm>>
      %dma_wait3A_47 = arith.constant 0 : i32
      %dma_wait3A_48 = tpu.memref_slice %arg4[%add3A_10, %dma_wait3A_47] : memref<160000x32xf32, #tpu.memory_space<hbm>> -> memref<1000x32xf32, #tpu.memory_space<hbm>>
      tpu.wait_dma2 semaphore(%run_scoped3A : memref<!tpu.dma_semaphore, #tpu.memory_space<semaphore_mem>>) src(%arg6 : memref<1000x32xf32, #tpu.memory_space<vmem>>) dst(%dma_wait3A_48 : memref<1000x32xf32, #tpu.memory_space<hbm>>)
      tpu.yield
    }) : () -> ()
    %add3A_17 = arith.constant 2000 : i32
    %add3A_18 = arith.addi %mul3A_2, %add3A_17 : i32
    "tpu.region"() ({
      %run_scoped3A = tpu.sem_alloc : memref<!tpu.dma_semaphore, #tpu.memory_space<semaphore_mem>>
      %dma_start3A_41 = tpu.memref_slice %arg3[%add3A_18] : memref<160000xi32, #tpu.memory_space<hbm>> -> memref<1000xi32, #tpu.memory_space<hbm>>
      %dma_start3A_42 = tpu.memref_slice %arg3[%add3A_18] : memref<160000xi32, #tpu.memory_space<hbm>> -> memref<1000xi32, #tpu.memory_space<hbm>>
      tpu.enqueue_dma source(%dma_start3A_42 : memref<1000xi32, #tpu.memory_space<hbm>>) target(%arg5 : memref<1000xi32, #tpu.memory_space<vmem>>) target_semaphore(%run_scoped3A : memref<!tpu.dma_semaphore, #tpu.memory_space<semaphore_mem>>)
      %dma_wait3A_43 = tpu.memref_slice %arg3[%add3A_18] : memref<160000xi32, #tpu.memory_space<hbm>> -> memref<1000xi32, #tpu.memory_space<hbm>>
      %dma_wait3A_44 = tpu.memref_slice %arg3[%add3A_18] : memref<160000xi32, #tpu.memory_space<hbm>> -> memref<1000xi32, #tpu.memory_space<hbm>>
      tpu.wait_dma2 semaphore(%run_scoped3A : memref<!tpu.dma_semaphore, #tpu.memory_space<semaphore_mem>>) src(%dma_wait3A_44 : memref<1000xi32, #tpu.memory_space<hbm>>) dst(%arg5 : memref<1000xi32, #tpu.memory_space<vmem>>)
      tpu.yield
    }) : () -> ()
    %dma_start3A_19 = arith.constant 0 : i32
    %dma_start3A_20 = arith.constant 0 : i32
    %dma_start3A_21 = tpu.memref_slice %arg2[%dma_start3A_19, %dma_start3A_20] : memref<10000x32xf32, #tpu.memory_space<hbm>> -> memref<10000x32xf32, #tpu.memory_space<hbm>>
    tpu.enqueue_indirect_dma source(%dma_start3A_21 : memref<10000x32xf32, #tpu.memory_space<hbm>>) target(%arg6 : memref<1000x32xf32, #tpu.memory_space<vmem>>) offsets(%arg5 : memref<1000xi32, #tpu.memory_space<vmem>>) semaphore(%arg7 : memref<!tpu.dma_semaphore, #tpu.memory_space<semaphore_mem>>)
    %dma_wait3A_22 = arith.constant 0 : i32
    %dma_wait3A_23 = arith.constant 0 : i32
    %dma_wait3A_24 = tpu.memref_slice %arg2[%dma_wait3A_22, %dma_wait3A_23] : memref<10000x32xf32, #tpu.memory_space<hbm>> -> memref<10000x32xf32, #tpu.memory_space<hbm>>
    tpu.wait_indirect_dma semaphore(%arg7 : memref<!tpu.dma_semaphore, #tpu.memory_space<semaphore_mem>>) src(%dma_wait3A_24 : memref<10000x32xf32, #tpu.memory_space<hbm>>) dst(%arg6 : memref<1000x32xf32, #tpu.memory_space<vmem>>)
    "tpu.region"() ({
      %run_scoped3A = tpu.sem_alloc : memref<!tpu.dma_semaphore, #tpu.memory_space<semaphore_mem>>
      %dma_start3A_41 = arith.constant 0 : i32
      %dma_start3A_42 = tpu.memref_slice %arg4[%add3A_18, %dma_start3A_41] : memref<160000x32xf32, #tpu.memory_space<hbm>> -> memref<1000x32xf32, #tpu.memory_space<hbm>>
      %dma_start3A_43 = arith.constant 0 : i32
      %dma_start3A_44 = tpu.memref_slice %arg4[%add3A_18, %dma_start3A_43] : memref<160000x32xf32, #tpu.memory_space<hbm>> -> memref<1000x32xf32, #tpu.memory_space<hbm>>
      tpu.enqueue_dma source(%arg6 : memref<1000x32xf32, #tpu.memory_space<vmem>>) target(%dma_start3A_44 : memref<1000x32xf32, #tpu.memory_space<hbm>>) target_semaphore(%run_scoped3A : memref<!tpu.dma_semaphore, #tpu.memory_space<semaphore_mem>>)
      %dma_wait3A_45 = arith.constant 0 : i32
      %dma_wait3A_46 = tpu.memref_slice %arg4[%add3A_18, %dma_wait3A_45] : memref<160000x32xf32, #tpu.memory_space<hbm>> -> memref<1000x32xf32, #tpu.memory_space<hbm>>
      %dma_wait3A_47 = arith.constant 0 : i32
      %dma_wait3A_48 = tpu.memref_slice %arg4[%add3A_18, %dma_wait3A_47] : memref<160000x32xf32, #tpu.memory_space<hbm>> -> memref<1000x32xf32, #tpu.memory_space<hbm>>
      tpu.wait_dma2 semaphore(%run_scoped3A : memref<!tpu.dma_semaphore, #tpu.memory_space<semaphore_mem>>) src(%arg6 : memref<1000x32xf32, #tpu.memory_space<vmem>>) dst(%dma_wait3A_48 : memref<1000x32xf32, #tpu.memory_space<hbm>>)
      tpu.yield
    }) : () -> ()
    %add3A_25 = arith.constant 3000 : i32
    %add3A_26 = arith.addi %mul3A_2, %add3A_25 : i32
    "tpu.region"() ({
      %run_scoped3A = tpu.sem_alloc : memref<!tpu.dma_semaphore, #tpu.memory_space<semaphore_mem>>
      %dma_start3A_41 = tpu.memref_slice %arg3[%add3A_26] : memref<160000xi32, #tpu.memory_space<hbm>> -> memref<1000xi32, #tpu.memory_space<hbm>>
      %dma_start3A_42 = tpu.memref_slice %arg3[%add3A_26] : memref<160000xi32, #tpu.memory_space<hbm>> -> memref<1000xi32, #tpu.memory_space<hbm>>
      tpu.enqueue_dma source(%dma_start3A_42 : memref<1000xi32, #tpu.memory_space<hbm>>) target(%arg5 : memref<1000xi32, #tpu.memory_space<vmem>>) target_semaphore(%run_scoped3A : memref<!tpu.dma_semaphore, #tpu.memory_space<semaphore_mem>>)
      %dma_wait3A_43 = tpu.memref_slice %arg3[%add3A_26] : memref<160000xi32, #tpu.memory_space<hbm>> -> memref<1000xi32, #tpu.memory_space<hbm>>
      %dma_wait3A_44 = tpu.memref_slice %arg3[%add3A_26] : memref<160000xi32, #tpu.memory_space<hbm>> -> memref<1000xi32, #tpu.memory_space<hbm>>
      tpu.wait_dma2 semaphore(%run_scoped3A : memref<!tpu.dma_semaphore, #tpu.memory_space<semaphore_mem>>) src(%dma_wait3A_44 : memref<1000xi32, #tpu.memory_space<hbm>>) dst(%arg5 : memref<1000xi32, #tpu.memory_space<vmem>>)
      tpu.yield
    }) : () -> ()
    %dma_start3A_27 = arith.constant 0 : i32
    %dma_start3A_28 = arith.constant 0 : i32
    %dma_start3A_29 = tpu.memref_slice %arg2[%dma_start3A_27, %dma_start3A_28] : memref<10000x32xf32, #tpu.memory_space<hbm>> -> memref<10000x32xf32, #tpu.memory_space<hbm>>
    tpu.enqueue_indirect_dma source(%dma_start3A_29 : memref<10000x32xf32, #tpu.memory_space<hbm>>) target(%arg6 : memref<1000x32xf32, #tpu.memory_space<vmem>>) offsets(%arg5 : memref<1000xi32, #tpu.memory_space<vmem>>) semaphore(%arg7 : memref<!tpu.dma_semaphore, #tpu.memory_space<semaphore_mem>>)
    %dma_wait3A_30 = arith.constant 0 : i32
    %dma_wait3A_31 = arith.constant 0 : i32
    %dma_wait3A_32 = tpu.memref_slice %arg2[%dma_wait3A_30, %dma_wait3A_31] : memref<10000x32xf32, #tpu.memory_space<hbm>> -> memref<10000x32xf32, #tpu.memory_space<hbm>>
    tpu.wait_indirect_dma semaphore(%arg7 : memref<!tpu.dma_semaphore, #tpu.memory_space<semaphore_mem>>) src(%dma_wait3A_32 : memref<10000x32xf32, #tpu.memory_space<hbm>>) dst(%arg6 : memref<1000x32xf32, #tpu.memory_space<vmem>>)
    "tpu.region"() ({
      %run_scoped3A = tpu.sem_alloc : memref<!tpu.dma_semaphore, #tpu.memory_space<semaphore_mem>>
      %dma_start3A_41 = arith.constant 0 : i32
      %dma_start3A_42 = tpu.memref_slice %arg4[%add3A_26, %dma_start3A_41] : memref<160000x32xf32, #tpu.memory_space<hbm>> -> memref<1000x32xf32, #tpu.memory_space<hbm>>
      %dma_start3A_43 = arith.constant 0 : i32
      %dma_start3A_44 = tpu.memref_slice %arg4[%add3A_26, %dma_start3A_43] : memref<160000x32xf32, #tpu.memory_space<hbm>> -> memref<1000x32xf32, #tpu.memory_space<hbm>>
      tpu.enqueue_dma source(%arg6 : memref<1000x32xf32, #tpu.memory_space<vmem>>) target(%dma_start3A_44 : memref<1000x32xf32, #tpu.memory_space<hbm>>) target_semaphore(%run_scoped3A : memref<!tpu.dma_semaphore, #tpu.memory_space<semaphore_mem>>)
      %dma_wait3A_45 = arith.constant 0 : i32
      %dma_wait3A_46 = tpu.memref_slice %arg4[%add3A_26, %dma_wait3A_45] : memref<160000x32xf32, #tpu.memory_space<hbm>> -> memref<1000x32xf32, #tpu.memory_space<hbm>>
      %dma_wait3A_47 = arith.constant 0 : i32
      %dma_wait3A_48 = tpu.memref_slice %arg4[%add3A_26, %dma_wait3A_47] : memref<160000x32xf32, #tpu.memory_space<hbm>> -> memref<1000x32xf32, #tpu.memory_space<hbm>>
      tpu.wait_dma2 semaphore(%run_scoped3A : memref<!tpu.dma_semaphore, #tpu.memory_space<semaphore_mem>>) src(%arg6 : memref<1000x32xf32, #tpu.memory_space<vmem>>) dst(%dma_wait3A_48 : memref<1000x32xf32, #tpu.memory_space<hbm>>)
      tpu.yield
    }) : () -> ()
    %add3A_33 = arith.constant 4000 : i32
    %add3A_34 = arith.addi %mul3A_2, %add3A_33 : i32
    "tpu.region"() ({
      %run_scoped3A = tpu.sem_alloc : memref<!tpu.dma_semaphore, #tpu.memory_space<semaphore_mem>>
      %dma_start3A_41 = tpu.memref_slice %arg3[%add3A_34] : memref<160000xi32, #tpu.memory_space<hbm>> -> memref<1000xi32, #tpu.memory_space<hbm>>
      %dma_start3A_42 = tpu.memref_slice %arg3[%add3A_34] : memref<160000xi32, #tpu.memory_space<hbm>> -> memref<1000xi32, #tpu.memory_space<hbm>>
      tpu.enqueue_dma source(%dma_start3A_42 : memref<1000xi32, #tpu.memory_space<hbm>>) target(%arg5 : memref<1000xi32, #tpu.memory_space<vmem>>) target_semaphore(%run_scoped3A : memref<!tpu.dma_semaphore, #tpu.memory_space<semaphore_mem>>)
      %dma_wait3A_43 = tpu.memref_slice %arg3[%add3A_34] : memref<160000xi32, #tpu.memory_space<hbm>> -> memref<1000xi32, #tpu.memory_space<hbm>>
      %dma_wait3A_44 = tpu.memref_slice %arg3[%add3A_34] : memref<160000xi32, #tpu.memory_space<hbm>> -> memref<1000xi32, #tpu.memory_space<hbm>>
      tpu.wait_dma2 semaphore(%run_scoped3A : memref<!tpu.dma_semaphore, #tpu.memory_space<semaphore_mem>>) src(%dma_wait3A_44 : memref<1000xi32, #tpu.memory_space<hbm>>) dst(%arg5 : memref<1000xi32, #tpu.memory_space<vmem>>)
      tpu.yield
    }) : () -> ()
    %dma_start3A_35 = arith.constant 0 : i32
    %dma_start3A_36 = arith.constant 0 : i32
    %dma_start3A_37 = tpu.memref_slice %arg2[%dma_start3A_35, %dma_start3A_36] : memref<10000x32xf32, #tpu.memory_space<hbm>> -> memref<10000x32xf32, #tpu.memory_space<hbm>>
    tpu.enqueue_indirect_dma source(%dma_start3A_37 : memref<10000x32xf32, #tpu.memory_space<hbm>>) target(%arg6 : memref<1000x32xf32, #tpu.memory_space<vmem>>) offsets(%arg5 : memref<1000xi32, #tpu.memory_space<vmem>>) semaphore(%arg7 : memref<!tpu.dma_semaphore, #tpu.memory_space<semaphore_mem>>)
    %dma_wait3A_38 = arith.constant 0 : i32
    %dma_wait3A_39 = arith.constant 0 : i32
    %dma_wait3A_40 = tpu.memref_slice %arg2[%dma_wait3A_38, %dma_wait3A_39] : memref<10000x32xf32, #tpu.memory_space<hbm>> -> memref<10000x32xf32, #tpu.memory_space<hbm>>
    tpu.wait_indirect_dma semaphore(%arg7 : memref<!tpu.dma_semaphore, #tpu.memory_space<semaphore_mem>>) src(%dma_wait3A_40 : memref<10000x32xf32, #tpu.memory_space<hbm>>) dst(%arg6 : memref<1000x32xf32, #tpu.memory_space<vmem>>)
    "tpu.region"() ({
      %run_scoped3A = tpu.sem_alloc : memref<!tpu.dma_semaphore, #tpu.memory_space<semaphore_mem>>
      %dma_start3A_41 = arith.constant 0 : i32
      %dma_start3A_42 = tpu.memref_slice %arg4[%add3A_34, %dma_start3A_41] : memref<160000x32xf32, #tpu.memory_space<hbm>> -> memref<1000x32xf32, #tpu.memory_space<hbm>>
      %dma_start3A_43 = arith.constant 0 : i32
      %dma_start3A_44 = tpu.memref_slice %arg4[%add3A_34, %dma_start3A_43] : memref<160000x32xf32, #tpu.memory_space<hbm>> -> memref<1000x32xf32, #tpu.memory_space<hbm>>
      tpu.enqueue_dma source(%arg6 : memref<1000x32xf32, #tpu.memory_space<vmem>>) target(%dma_start3A_44 : memref<1000x32xf32, #tpu.memory_space<hbm>>) target_semaphore(%run_scoped3A : memref<!tpu.dma_semaphore, #tpu.memory_space<semaphore_mem>>)
      %dma_wait3A_45 = arith.constant 0 : i32
      %dma_wait3A_46 = tpu.memref_slice %arg4[%add3A_34, %dma_wait3A_45] : memref<160000x32xf32, #tpu.memory_space<hbm>> -> memref<1000x32xf32, #tpu.memory_space<hbm>>
      %dma_wait3A_47 = arith.constant 0 : i32
      %dma_wait3A_48 = tpu.memref_slice %arg4[%add3A_34, %dma_wait3A_47] : memref<160000x32xf32, #tpu.memory_space<hbm>> -> memref<1000x32xf32, #tpu.memory_space<hbm>>
      tpu.wait_dma2 semaphore(%run_scoped3A : memref<!tpu.dma_semaphore, #tpu.memory_space<semaphore_mem>>) src(%arg6 : memref<1000x32xf32, #tpu.memory_space<vmem>>) dst(%dma_wait3A_48 : memref<1000x32xf32, #tpu.memory_space<hbm>>)
      tpu.yield
    }) : () -> ()
    return
  }
}

module attributes {stable_mosaic.version = 14 : i64} {
  func.func @_encode_body(%arg0: memref<4x10000xf32, #tpu.memory_space<vmem>>, %arg1: memref<32x10000xf32, #tpu.memory_space<vmem>>, %arg2: memref<1x32xf32, #tpu.memory_space<vmem>>, %arg3: memref<4x32xf32, #tpu.memory_space<vmem>>) attributes {dimension_semantics = [], scalar_prefetch = 0 : i64, scratch_operands = 0 : i64, tpu.core_type = #tpu.core_type<tc>} {
    %get3A = arith.constant 0 : index
    %get3A_0 = arith.constant 0 : index
    %get3A_1 = vector.load %arg0[%get3A, %get3A_0] : memref<4x10000xf32, #tpu.memory_space<vmem>>, vector<4x10000xf32>
    %get3A_2 = arith.constant 0 : index
    %get3A_3 = arith.constant 0 : index
    %get3A_4 = vector.load %arg1[%get3A_2, %get3A_3] : memref<32x10000xf32, #tpu.memory_space<vmem>>, vector<32x10000xf32>
    %dot_general3A = arith.constant dense<0.000000e+00> : vector<4x32xf32>
    %dot_general3A_5 = tpu.matmul %get3A_1, %get3A_4, %dot_general3A {dimension_numbers = #tpu.dot_dimension_numbers<[1], [1], [0], [0], [0, 0, 1, 0], [], []>, transpose_lhs_hint = false} : vector<4x10000xf32>, vector<32x10000xf32>, vector<4x32xf32> -> vector<4x32xf32>
    %get3A_6 = arith.constant 0 : index
    %get3A_7 = arith.constant 0 : index
    %get3A_8 = vector.load %arg2[%get3A_6, %get3A_7] : memref<1x32xf32, #tpu.memory_space<vmem>>, vector<1x32xf32>
    %add3A = vector.broadcast %get3A_8 : vector<1x32xf32> to vector<4x32xf32>
    %add3A_9 = arith.addf %dot_general3A_5, %add3A : vector<4x32xf32>
    %swap3A = arith.constant 0 : index
    %swap3A_10 = arith.constant 0 : index
    %swap3A_11 = vector.load %arg3[%swap3A, %swap3A_10] : memref<4x32xf32, #tpu.memory_space<vmem>>, vector<4x32xf32>
    tpu.vector_store %arg3[%swap3A, %swap3A_10], %add3A_9 {strides = array<i32>} : memref<4x32xf32, #tpu.memory_space<vmem>>, vector<4x32xf32>,
    return
  }
}

module attributes {stable_mosaic.version = 14 : i64} {
  func.func @_bw_body(%arg0: i32, %arg1: memref<4x32xf32, #tpu.memory_space<vmem>>, %arg2: memref<8x32x10000xf32, #tpu.memory_space<vmem>>, %arg3: memref<1x10000x32xf32, #tpu.memory_space<vmem>>) attributes {dimension_semantics = [#tpu.dimension_semantics<arbitrary>], iteration_bounds = array<i64: 4>, scalar_prefetch = 0 : i64, scratch_operands = 0 : i64, tpu.core_type = #tpu.core_type<tc>, window_params = [{pipeline_mode = #tpu.pipeline_mode<synchronous>, transform_indices = @transform_0, window_bounds = array<i64: 4, 32>}, {transform_indices = @transform_1, window_bounds = array<i64: 8, 32, 10000>}, {transform_indices = @transform_2, window_bounds = array<i64: 1, 10000, 32>}]} {
    %get3A = arith.constant 0 : index
    %get3A_0 = arith.constant 0 : index
    %get3A_1 = vector.load %arg1[%get3A, %get3A_0] : memref<4x32xf32, #tpu.memory_space<vmem>>, vector<4x32xf32>
    %get3A_2 = arith.constant 0 : index
    %get3A_3 = arith.constant 0 : index
    %get3A_4 = arith.constant 0 : index
    %get3A_5 = vector.load %arg2[%get3A_2, %get3A_3, %get3A_4] : memref<8x32x10000xf32, #tpu.memory_space<vmem>>, vector<8x32x10000xf32>
    %reshape3A = vector.shape_cast %get3A_5 : vector<8x32x10000xf32> to vector<256x10000xf32>
    %concatenate3A = tpu.concatenate %get3A_1, %get3A_1, %get3A_1, %get3A_1, %get3A_1, %get3A_1, %get3A_1, %get3A_1 in 0 : vector<4x32xf32>, vector<4x32xf32>, vector<4x32xf32>, vector<4x32xf32>, vector<4x32xf32>, vector<4x32xf32>, vector<4x32xf32>, vector<4x32xf32> -> vector<32x32xf32>
    %concatenate3A_6 = tpu.concatenate %concatenate3A, %concatenate3A, %concatenate3A, %concatenate3A, %concatenate3A, %concatenate3A, %concatenate3A, %concatenate3A in 1 : vector<32x32xf32>, vector<32x32xf32>, vector<32x32xf32>, vector<32x32xf32>, vector<32x32xf32>, vector<32x32xf32>, vector<32x32xf32>, vector<32x32xf32> -> vector<32x256xf32>
    %iota3A = tpu.iota {dimensions = array<i32: 0>} : vector<32x256xi32>
    %iota3A_7 = tpu.iota {dimensions = array<i32: 1>} : vector<32x256xi32>
    %jit3A = arith.constant 4 : i32
    %div3A = vector.broadcast %jit3A : i32 to vector<32x256xi32>
    %div3A_8 = arith.divsi %iota3A, %div3A : vector<32x256xi32>
    %sign3A = arith.constant 0 : i32
    %sign3A_9 = vector.broadcast %sign3A : i32 to vector<32x256xi32>
    %sign3A_10 = arith.cmpi sgt, %iota3A, %sign3A_9 : vector<32x256xi32>
    %sign3A_11 = arith.extui %sign3A_10 : vector<32x256xi1> to vector<32x256xi32>
    %sign3A_12 = arith.constant 0 : i32
    %sign3A_13 = vector.broadcast %sign3A_12 : i32 to vector<32x256xi32>
    %sign3A_14 = arith.cmpi slt, %iota3A, %sign3A_13 : vector<32x256xi32>
    %sign3A_15 = arith.extui %sign3A_14 : vector<32x256xi1> to vector<32x256xi32>
    %sign3A_16 = arith.subi %sign3A_11, %sign3A_15 : vector<32x256xi32>
    %sign3A_17 = arith.constant 0 : i32
    %sign3A_18 = arith.cmpi sgt, %jit3A, %sign3A_17 : i32
    %sign3A_19 = arith.extui %sign3A_18 : i1 to i32
    %sign3A_20 = arith.constant 0 : i32
    %sign3A_21 = arith.cmpi slt, %jit3A, %sign3A_20 : i32
    %sign3A_22 = arith.extui %sign3A_21 : i1 to i32
    %sign3A_23 = arith.subi %sign3A_19, %sign3A_22 : i32
    %ne3A = vector.broadcast %sign3A_23 : i32 to vector<32x256xi32>
    %ne3A_24 = arith.cmpi ne, %sign3A_16, %ne3A : vector<32x256xi32>
    %rem3A = vector.broadcast %jit3A : i32 to vector<32x256xi32>
    %rem3A_25 = arith.remsi %iota3A, %rem3A : vector<32x256xi32>
    %ne3A_26 = arith.constant 0 : i32
    %ne3A_27 = vector.broadcast %ne3A_26 : i32 to vector<32x256xi32>
    %ne3A_28 = arith.cmpi ne, %rem3A_25, %ne3A_27 : vector<32x256xi32>
    %and3A = arith.andi %ne3A_24, %ne3A_28 : vector<32x256xi1>
    %sub3A = arith.constant 1 : i32
    %sub3A_29 = vector.broadcast %sub3A : i32 to vector<32x256xi32>
    %sub3A_30 = arith.subi %div3A_8, %sub3A_29 : vector<32x256xi32>
    %select_n3A = arith.select %and3A, %sub3A_30, %div3A_8 : vector<32x256xi1>, vector<32x256xi32>
    %jit3A_31 = arith.constant 32 : i32
    %div3A_32 = vector.broadcast %jit3A_31 : i32 to vector<32x256xi32>
    %div3A_33 = arith.divsi %iota3A_7, %div3A_32 : vector<32x256xi32>
    %sign3A_34 = arith.constant 0 : i32
    %sign3A_35 = vector.broadcast %sign3A_34 : i32 to vector<32x256xi32>
    %sign3A_36 = arith.cmpi sgt, %iota3A_7, %sign3A_35 : vector<32x256xi32>
    %sign3A_37 = arith.extui %sign3A_36 : vector<32x256xi1> to vector<32x256xi32>
    %sign3A_38 = arith.constant 0 : i32
    %sign3A_39 = vector.broadcast %sign3A_38 : i32 to vector<32x256xi32>
    %sign3A_40 = arith.cmpi slt, %iota3A_7, %sign3A_39 : vector<32x256xi32>
    %sign3A_41 = arith.extui %sign3A_40 : vector<32x256xi1> to vector<32x256xi32>
    %sign3A_42 = arith.subi %sign3A_37, %sign3A_41 : vector<32x256xi32>
    %sign3A_43 = arith.constant 0 : i32
    %sign3A_44 = arith.cmpi sgt, %jit3A_31, %sign3A_43 : i32
    %sign3A_45 = arith.extui %sign3A_44 : i1 to i32
    %sign3A_46 = arith.constant 0 : i32
    %sign3A_47 = arith.cmpi slt, %jit3A_31, %sign3A_46 : i32
    %sign3A_48 = arith.extui %sign3A_47 : i1 to i32
    %sign3A_49 = arith.subi %sign3A_45, %sign3A_48 : i32
    %ne3A_50 = vector.broadcast %sign3A_49 : i32 to vector<32x256xi32>
    %ne3A_51 = arith.cmpi ne, %sign3A_42, %ne3A_50 : vector<32x256xi32>
    %rem3A_52 = vector.broadcast %jit3A_31 : i32 to vector<32x256xi32>
    %rem3A_53 = arith.remsi %iota3A_7, %rem3A_52 : vector<32x256xi32>
    %ne3A_54 = arith.constant 0 : i32
    %ne3A_55 = vector.broadcast %ne3A_54 : i32 to vector<32x256xi32>
    %ne3A_56 = arith.cmpi ne, %rem3A_53, %ne3A_55 : vector<32x256xi32>
    %and3A_57 = arith.andi %ne3A_51, %ne3A_56 : vector<32x256xi1>
    %sub3A_58 = arith.constant 1 : i32
    %sub3A_59 = vector.broadcast %sub3A_58 : i32 to vector<32x256xi32>
    %sub3A_60 = arith.subi %div3A_33, %sub3A_59 : vector<32x256xi32>
    %select_n3A_61 = arith.select %and3A_57, %sub3A_60, %div3A_33 : vector<32x256xi1>, vector<32x256xi32>
    %eq3A = arith.cmpi eq, %select_n3A, %select_n3A_61 : vector<32x256xi32>
    %jit3A_62 = arith.constant 0.000000e+00 : f32
    %broadcast_in_dim3A = vector.broadcast %jit3A_62 : f32 to vector<32x256xf32>
    %select_n3A_63 = arith.select %eq3A, %concatenate3A_6, %broadcast_in_dim3A : vector<32x256xi1>, vector<32x256xf32>
    %dot_general3A = arith.constant dense<0.000000e+00> : vector<32x10000xf32>
    %dot_general3A_64 = tpu.matmul %select_n3A_63, %reshape3A, %dot_general3A {dimension_numbers = #tpu.dot_dimension_numbers<[1], [0], [0], [1], [0, 0, 1, 1], [], []>, transpose_lhs_hint = false} : vector<32x256xf32>, vector<256x10000xf32>, vector<32x10000xf32> -> vector<32x10000xf32>
    %logistic3A = arith.negf %dot_general3A_64 : vector<32x10000xf32>
    %logistic3A_65 = math.exp %logistic3A : vector<32x10000xf32>
    %logistic3A_66 = arith.constant 1.000000e+00 : f32
    %logistic3A_67 = vector.broadcast %logistic3A_66 : f32 to vector<32x10000xf32>
    %logistic3A_68 = arith.addf %logistic3A_67, %logistic3A_65 : vector<32x10000xf32>
    %logistic3A_69 = arith.divf %logistic3A_67, %logistic3A_68 : vector<32x10000xf32>
    %mul3A = arith.constant 1.600000e+01 : f32
    %mul3A_70 = vector.broadcast %mul3A : f32 to vector<32x10000xf32>
    %mul3A_71 = arith.mulf %logistic3A_69, %mul3A_70 : vector<32x10000xf32>
    %transpose3A = tpu.transpose %mul3A_71, [1, 0] : vector<32x10000xf32> -> vector<10000x32xf32>
    %swap3A = arith.constant 0 : index
    %swap3A_72 = arith.constant 0 : index
    %swap3A_73 = arith.constant 0 : index
    %swap3A_74 = vector.load %arg3[%swap3A, %swap3A_72, %swap3A_73] : memref<1x10000x32xf32, #tpu.memory_space<vmem>>, vector<1x10000x32xf32>
    %swap3A_75 = vector.shape_cast %swap3A_74 : vector<1x10000x32xf32> to vector<10000x32xf32>
    %swap3A_76 = vector.shape_cast %transpose3A : vector<10000x32xf32> to vector<1x10000x32xf32>
    tpu.vector_store %arg3[%swap3A, %swap3A_72, %swap3A_73], %swap3A_76 {strides = array<i32>} : memref<1x10000x32xf32, #tpu.memory_space<vmem>>, vector<1x10000x32xf32>,
    return
  }
  func.func @transform_0(%arg0: i32) -> (i32, i32) {
    %c0_i32 = arith.constant 0 : i32
    %c0_i32_0 = arith.constant 0 : i32
    %c0_i32_1 = arith.constant 0 : i32
    return %c0_i32, %c0_i32_0 : i32, i32
  }
  func.func @transform_1(%arg0: i32) -> (i32, i32, i32) {
    %c0_i32 = arith.constant 0 : i32
    %c0_i32_0 = arith.constant 0 : i32
    %c0_i32_1 = arith.constant 0 : i32
    return %arg0, %c0_i32, %c0_i32_0 : i32, i32, i32
  }
  func.func @transform_2(%arg0: i32) -> (i32, i32, i32) {
    %c0_i32 = arith.constant 0 : i32
    %c0_i32_0 = arith.constant 0 : i32
    %c0_i32_1 = arith.constant 0 : i32
    return %arg0, %c0_i32, %c0_i32_0 : i32, i32, i32
  }
}

module attributes {stable_mosaic.version = 14 : i64} {
  func.func @_main_body(%arg0: i32, %arg1: memref<4x32xf32, #tpu.memory_space<vmem>>, %arg2: memref<4x2000x32xf32, #tpu.memory_space<vmem>>, %arg3: memref<2000x512xf32, #tpu.memory_space<vmem>>, %arg4: memref<2000x4xf32, #tpu.memory_space<vmem>>) attributes {dimension_semantics = [#tpu.dimension_semantics<arbitrary>], iteration_bounds = array<i64: 5>, scalar_prefetch = 0 : i64, scratch_operands = 0 : i64, tpu.core_type = #tpu.core_type<tc>, window_params = [{pipeline_mode = #tpu.pipeline_mode<synchronous>, transform_indices = @transform_0, window_bounds = array<i64: 4, 32>}, {transform_indices = @transform_1, window_bounds = array<i64: 4, 2000, 32>}, {transform_indices = @transform_2, window_bounds = array<i64: 2000, 512>}, {transform_indices = @transform_3, window_bounds = array<i64: 2000, 4>}]} {
    %get3A = arith.constant 0 : index
    %get3A_0 = arith.constant 0 : index
    %get3A_1 = vector.load %arg1[%get3A, %get3A_0] : memref<4x32xf32, #tpu.memory_space<vmem>>, vector<4x32xf32>
    %get3A_2 = arith.constant 0 : index
    %get3A_3 = arith.constant 0 : index
    %get3A_4 = vector.load %arg3[%get3A_2, %get3A_3] : memref<2000x512xf32, #tpu.memory_space<vmem>>, vector<2000x512xf32>
    %get3A_5 = arith.constant 0 : index
    %get3A_6 = arith.constant 0 : index
    %get3A_7 = arith.constant 0 : index
    %get3A_8 = vector.load %arg2[%get3A_5, %get3A_6, %get3A_7] : memref<4x2000x32xf32, #tpu.memory_space<vmem>>, vector<1x2000x32xf32>
    %get3A_9 = vector.shape_cast %get3A_8 : vector<1x2000x32xf32> to vector<2000x32xf32>
    %get3A_10 = arith.constant 1 : index
    %get3A_11 = arith.constant 0 : index
    %get3A_12 = arith.constant 0 : index
    %get3A_13 = vector.load %arg2[%get3A_10, %get3A_11, %get3A_12] : memref<4x2000x32xf32, #tpu.memory_space<vmem>>, vector<1x2000x32xf32>
    %get3A_14 = vector.shape_cast %get3A_13 : vector<1x2000x32xf32> to vector<2000x32xf32>
    %get3A_15 = arith.constant 2 : index
    %get3A_16 = arith.constant 0 : index
    %get3A_17 = arith.constant 0 : index
    %get3A_18 = vector.load %arg2[%get3A_15, %get3A_16, %get3A_17] : memref<4x2000x32xf32, #tpu.memory_space<vmem>>, vector<1x2000x32xf32>
    %get3A_19 = vector.shape_cast %get3A_18 : vector<1x2000x32xf32> to vector<2000x32xf32>
    %get3A_20 = arith.constant 3 : index
    %get3A_21 = arith.constant 0 : index
    %get3A_22 = arith.constant 0 : index
    %get3A_23 = vector.load %arg2[%get3A_20, %get3A_21, %get3A_22] : memref<4x2000x32xf32, #tpu.memory_space<vmem>>, vector<1x2000x32xf32>
    %get3A_24 = vector.shape_cast %get3A_23 : vector<1x2000x32xf32> to vector<2000x32xf32>
    %concatenate3A = tpu.concatenate %get3A_9, %get3A_14, %get3A_19, %get3A_24 in 1 : vector<2000x32xf32>, vector<2000x32xf32>, vector<2000x32xf32>, vector<2000x32xf32> -> vector<2000x128xf32>
    %iota3A = tpu.iota {dimensions = array<i32: 0>} : vector<128x128xi32>
    %iota3A_25 = tpu.iota {dimensions = array<i32: 1>} : vector<128x128xi32>
    %jit3A = arith.constant 4 : i32
    %eq3A = arith.constant 0 : i32
    %eq3A_26 = arith.cmpi eq, %jit3A, %eq3A : i32
    %jit3A_27 = arith.constant 1 : i32
    %select_n3A = arith.select %eq3A_26, %jit3A_27, %jit3A : i32
    %rem3A = vector.broadcast %select_n3A : i32 to vector<128x128xi32>
    %rem3A_28 = arith.remsi %iota3A, %rem3A : vector<128x128xi32>
    %ne3A = arith.constant 0 : i32
    %ne3A_29 = vector.broadcast %ne3A : i32 to vector<128x128xi32>
    %ne3A_30 = arith.cmpi ne, %rem3A_28, %ne3A_29 : vector<128x128xi32>
    %lt3A = arith.constant 0 : i32
    %lt3A_31 = vector.broadcast %lt3A : i32 to vector<128x128xi32>
    %lt3A_32 = arith.cmpi slt, %rem3A_28, %lt3A_31 : vector<128x128xi32>
    %lt3A_33 = arith.constant 0 : i32
    %lt3A_34 = arith.cmpi slt, %select_n3A, %lt3A_33 : i32
    %ne3A_35 = vector.broadcast %lt3A_34 : i1 to vector<128x128xi1>
    %ne3A_36 = vector.broadcast %ne3A_35 : vector<128x128xi1> to vector<128x128xi1>
    %ne3A_37 = arith.xori %lt3A_32, %ne3A_36 : vector<128x128xi1>
    %and3A = arith.andi %ne3A_37, %ne3A_30 : vector<128x128xi1>
    %add3A = vector.broadcast %select_n3A : i32 to vector<128x128xi32>
    %add3A_38 = arith.addi %rem3A_28, %add3A : vector<128x128xi32>
    %select_n3A_39 = arith.select %and3A, %add3A_38, %rem3A_28 : vector<128x128xi1>, vector<128x128xi32>
    %mul3A = arith.constant 32 : i32
    %mul3A_40 = vector.broadcast %mul3A : i32 to vector<128x128xi32>
    %mul3A_41 = arith.muli %select_n3A_39, %mul3A_40 : vector<128x128xi32>
    %jit3A_42 = arith.constant 32 : i32
    %div3A = vector.broadcast %jit3A_42 : i32 to vector<128x128xi32>
    %div3A_43 = arith.divsi %iota3A, %div3A : vector<128x128xi32>
    %sign3A = arith.constant 0 : i32
    %sign3A_44 = vector.broadcast %sign3A : i32 to vector<128x128xi32>
    %sign3A_45 = arith.cmpi sgt, %iota3A, %sign3A_44 : vector<128x128xi32>
    %sign3A_46 = arith.extui %sign3A_45 : vector<128x128xi1> to vector<128x128xi32>
    %sign3A_47 = arith.constant 0 : i32
    %sign3A_48 = vector.broadcast %sign3A_47 : i32 to vector<128x128xi32>
    %sign3A_49 = arith.cmpi slt, %iota3A, %sign3A_48 : vector<128x128xi32>
    %sign3A_50 = arith.extui %sign3A_49 : vector<128x128xi1> to vector<128x128xi32>
    %sign3A_51 = arith.subi %sign3A_46, %sign3A_50 : vector<128x128xi32>
    %sign3A_52 = arith.constant 0 : i32
    %sign3A_53 = arith.cmpi sgt, %jit3A_42, %sign3A_52 : i32
    %sign3A_54 = arith.extui %sign3A_53 : i1 to i32
    %sign3A_55 = arith.constant 0 : i32
    %sign3A_56 = arith.cmpi slt, %jit3A_42, %sign3A_55 : i32
    %sign3A_57 = arith.extui %sign3A_56 : i1 to i32
    %sign3A_58 = arith.subi %sign3A_54, %sign3A_57 : i32
    %ne3A_59 = vector.broadcast %sign3A_58 : i32 to vector<128x128xi32>
    %ne3A_60 = arith.cmpi ne, %sign3A_51, %ne3A_59 : vector<128x128xi32>
    %rem3A_61 = vector.broadcast %jit3A_42 : i32 to vector<128x128xi32>
    %rem3A_62 = arith.remsi %iota3A, %rem3A_61 : vector<128x128xi32>
    %ne3A_63 = arith.constant 0 : i32
    %ne3A_64 = vector.broadcast %ne3A_63 : i32 to vector<128x128xi32>
    %ne3A_65 = arith.cmpi ne, %rem3A_62, %ne3A_64 : vector<128x128xi32>
    %and3A_66 = arith.andi %ne3A_60, %ne3A_65 : vector<128x128xi1>
    %sub3A = arith.constant 1 : i32
    %sub3A_67 = vector.broadcast %sub3A : i32 to vector<128x128xi32>
    %sub3A_68 = arith.subi %div3A_43, %sub3A_67 : vector<128x128xi32>
    %select_n3A_69 = arith.select %and3A_66, %sub3A_68, %div3A_43 : vector<128x128xi1>, vector<128x128xi32>
    %mul3A_70 = arith.constant 8 : i32
    %mul3A_71 = vector.broadcast %mul3A_70 : i32 to vector<128x128xi32>
    %mul3A_72 = arith.muli %mul3A_71, %select_n3A_69 : vector<128x128xi32>
    %add3A_73 = arith.addi %mul3A_41, %mul3A_72 : vector<128x128xi32>
    %jit3A_74 = arith.constant 4 : i32
    %div3A_75 = vector.broadcast %jit3A_74 : i32 to vector<128x128xi32>
    %div3A_76 = arith.divsi %iota3A, %div3A_75 : vector<128x128xi32>
    %sign3A_77 = arith.constant 0 : i32
    %sign3A_78 = vector.broadcast %sign3A_77 : i32 to vector<128x128xi32>
    %sign3A_79 = arith.cmpi sgt, %iota3A, %sign3A_78 : vector<128x128xi32>
    %sign3A_80 = arith.extui %sign3A_79 : vector<128x128xi1> to vector<128x128xi32>
    %sign3A_81 = arith.constant 0 : i32
    %sign3A_82 = vector.broadcast %sign3A_81 : i32 to vector<128x128xi32>
    %sign3A_83 = arith.cmpi slt, %iota3A, %sign3A_82 : vector<128x128xi32>
    %sign3A_84 = arith.extui %sign3A_83 : vector<128x128xi1> to vector<128x128xi32>
    %sign3A_85 = arith.subi %sign3A_80, %sign3A_84 : vector<128x128xi32>
    %sign3A_86 = arith.constant 0 : i32
    %sign3A_87 = arith.cmpi sgt, %jit3A_74, %sign3A_86 : i32
    %sign3A_88 = arith.extui %sign3A_87 : i1 to i32
    %sign3A_89 = arith.constant 0 : i32
    %sign3A_90 = arith.cmpi slt, %jit3A_74, %sign3A_89 : i32
    %sign3A_91 = arith.extui %sign3A_90 : i1 to i32
    %sign3A_92 = arith.subi %sign3A_88, %sign3A_91 : i32
    %ne3A_93 = vector.broadcast %sign3A_92 : i32 to vector<128x128xi32>
    %ne3A_94 = arith.cmpi ne, %sign3A_85, %ne3A_93 : vector<128x128xi32>
    %rem3A_95 = vector.broadcast %jit3A_74 : i32 to vector<128x128xi32>
    %rem3A_96 = arith.remsi %iota3A, %rem3A_95 : vector<128x128xi32>
    %ne3A_97 = arith.constant 0 : i32
    %ne3A_98 = vector.broadcast %ne3A_97 : i32 to vector<128x128xi32>
    %ne3A_99 = arith.cmpi ne, %rem3A_96, %ne3A_98 : vector<128x128xi32>
    %and3A_100 = arith.andi %ne3A_94, %ne3A_99 : vector<128x128xi1>
    %sub3A_101 = arith.constant 1 : i32
    %sub3A_102 = vector.broadcast %sub3A_101 : i32 to vector<128x128xi32>
    %sub3A_103 = arith.subi %div3A_76, %sub3A_102 : vector<128x128xi32>
    %select_n3A_104 = arith.select %and3A_100, %sub3A_103, %div3A_76 : vector<128x128xi1>, vector<128x128xi32>
    %jit3A_105 = arith.constant 8 : i32
    %eq3A_106 = arith.constant 0 : i32
    %eq3A_107 = arith.cmpi eq, %jit3A_105, %eq3A_106 : i32
    %jit3A_108 = arith.constant 1 : i32
    %select_n3A_109 = arith.select %eq3A_107, %jit3A_108, %jit3A_105 : i32
    %rem3A_110 = vector.broadcast %select_n3A_109 : i32 to vector<128x128xi32>
    %rem3A_111 = arith.remsi %select_n3A_104, %rem3A_110 : vector<128x128xi32>
    %ne3A_112 = arith.constant 0 : i32
    %ne3A_113 = vector.broadcast %ne3A_112 : i32 to vector<128x128xi32>
    %ne3A_114 = arith.cmpi ne, %rem3A_111, %ne3A_113 : vector<128x128xi32>
    %lt3A_115 = arith.constant 0 : i32
    %lt3A_116 = vector.broadcast %lt3A_115 : i32 to vector<128x128xi32>
    %lt3A_117 = arith.cmpi slt, %rem3A_111, %lt3A_116 : vector<128x128xi32>
    %lt3A_118 = arith.constant 0 : i32
    %lt3A_119 = arith.cmpi slt, %select_n3A_109, %lt3A_118 : i32
    %ne3A_120 = vector.broadcast %lt3A_119 : i1 to vector<128x128xi1>
    %ne3A_121 = vector.broadcast %ne3A_120 : vector<128x128xi1> to vector<128x128xi1>
    %ne3A_122 = arith.xori %lt3A_117, %ne3A_121 : vector<128x128xi1>
    %and3A_123 = arith.andi %ne3A_122, %ne3A_114 : vector<128x128xi1>
    %add3A_124 = vector.broadcast %select_n3A_109 : i32 to vector<128x128xi32>
    %add3A_125 = arith.addi %rem3A_111, %add3A_124 : vector<128x128xi32>
    %select_n3A_126 = arith.select %and3A_123, %add3A_125, %rem3A_111 : vector<128x128xi1>, vector<128x128xi32>
    %add3A_127 = arith.addi %add3A_73, %select_n3A_126 : vector<128x128xi32>
    %eq3A_128 = arith.cmpi eq, %iota3A_25, %add3A_127 : vector<128x128xi32>
    %jit3A_129 = arith.constant 1.000000e+00 : f32
    %jit3A_130 = arith.constant 0.000000e+00 : f32
    %broadcast_in_dim3A = vector.broadcast %jit3A_129 : f32 to vector<128x128xf32>
    %broadcast_in_dim3A_131 = vector.broadcast %jit3A_130 : f32 to vector<128x128xf32>
    %select_n3A_132 = arith.select %eq3A_128, %broadcast_in_dim3A, %broadcast_in_dim3A_131 : vector<128x128xi1>, vector<128x128xf32>
    %dot_general3A = arith.constant dense<0.000000e+00> : vector<2000x128xf32>
    %dot_general3A_133 = tpu.matmul %concatenate3A, %select_n3A_132, %dot_general3A {dimension_numbers = #tpu.dot_dimension_numbers<[1], [0], [0], [1], [0, 0, 1, 1], [], []>, transpose_lhs_hint = false} : vector<2000x128xf32>, vector<128x128xf32>, vector<2000x128xf32> -> vector<2000x128xf32>
    %iota3A_134 = tpu.iota {dimensions = array<i32: 1>} : vector<1x512xi32>
    %jit3A_135 = arith.constant 32 : i32
    %div3A_136 = vector.broadcast %jit3A_135 : i32 to vector<1x512xi32>
    %div3A_137 = arith.divsi %iota3A_134, %div3A_136 : vector<1x512xi32>
    %sign3A_138 = arith.constant 0 : i32
    %sign3A_139 = vector.broadcast %sign3A_138 : i32 to vector<1x512xi32>
    %sign3A_140 = arith.cmpi sgt, %iota3A_134, %sign3A_139 : vector<1x512xi32>
    %sign3A_141 = arith.extui %sign3A_140 : vector<1x512xi1> to vector<1x512xi32>
    %sign3A_142 = arith.constant 0 : i32
    %sign3A_143 = vector.broadcast %sign3A_142 : i32 to vector<1x512xi32>
    %sign3A_144 = arith.cmpi slt, %iota3A_134, %sign3A_143 : vector<1x512xi32>
    %sign3A_145 = arith.extui %sign3A_144 : vector<1x512xi1> to vector<1x512xi32>
    %sign3A_146 = arith.subi %sign3A_141, %sign3A_145 : vector<1x512xi32>
    %sign3A_147 = arith.constant 0 : i32
    %sign3A_148 = arith.cmpi sgt, %jit3A_135, %sign3A_147 : i32
    %sign3A_149 = arith.extui %sign3A_148 : i1 to i32
    %sign3A_150 = arith.constant 0 : i32
    %sign3A_151 = arith.cmpi slt, %jit3A_135, %sign3A_150 : i32
    %sign3A_152 = arith.extui %sign3A_151 : i1 to i32
    %sign3A_153 = arith.subi %sign3A_149, %sign3A_152 : i32
    %ne3A_154 = vector.broadcast %sign3A_153 : i32 to vector<1x512xi32>
    %ne3A_155 = arith.cmpi ne, %sign3A_146, %ne3A_154 : vector<1x512xi32>
    %rem3A_156 = vector.broadcast %jit3A_135 : i32 to vector<1x512xi32>
    %rem3A_157 = arith.remsi %iota3A_134, %rem3A_156 : vector<1x512xi32>
    %ne3A_158 = arith.constant 0 : i32
    %ne3A_159 = vector.broadcast %ne3A_158 : i32 to vector<1x512xi32>
    %ne3A_160 = arith.cmpi ne, %rem3A_157, %ne3A_159 : vector<1x512xi32>
    %and3A_161 = arith.andi %ne3A_155, %ne3A_160 : vector<1x512xi1>
    %sub3A_162 = arith.constant 1 : i32
    %sub3A_163 = vector.broadcast %sub3A_162 : i32 to vector<1x512xi32>
    %sub3A_164 = arith.subi %div3A_137, %sub3A_163 : vector<1x512xi32>
    %select_n3A_165 = arith.select %and3A_161, %sub3A_164, %div3A_137 : vector<1x512xi1>, vector<1x512xi32>
    %convert_element_type3A = arith.sitofp %select_n3A_165 : vector<1x512xi32> to vector<1x512xf32>
    %mul3A_166 = arith.mulf %convert_element_type3A, %convert_element_type3A : vector<1x512xf32>
    %iota3A_167 = tpu.iota {dimensions = array<i32: 0>} : vector<512x32xi32>
    %iota3A_168 = tpu.iota {dimensions = array<i32: 1>} : vector<512x32xi32>
    %jit3A_169 = arith.constant 32 : i32
    %eq3A_170 = arith.constant 0 : i32
    %eq3A_171 = arith.cmpi eq, %jit3A_169, %eq3A_170 : i32
    %jit3A_172 = arith.constant 1 : i32
    %select_n3A_173 = arith.select %eq3A_171, %jit3A_172, %jit3A_169 : i32
    %rem3A_174 = vector.broadcast %select_n3A_173 : i32 to vector<512x32xi32>
    %rem3A_175 = arith.remsi %iota3A_167, %rem3A_174 : vector<512x32xi32>
    %ne3A_176 = arith.constant 0 : i32
    %ne3A_177 = vector.broadcast %ne3A_176 : i32 to vector<512x32xi32>
    %ne3A_178 = arith.cmpi ne, %rem3A_175, %ne3A_177 : vector<512x32xi32>
    %lt3A_179 = arith.constant 0 : i32
    %lt3A_180 = vector.broadcast %lt3A_179 : i32 to vector<512x32xi32>
    %lt3A_181 = arith.cmpi slt, %rem3A_175, %lt3A_180 : vector<512x32xi32>
    %lt3A_182 = arith.constant 0 : i32
    %lt3A_183 = arith.cmpi slt, %select_n3A_173, %lt3A_182 : i32
    %ne3A_184 = vector.broadcast %lt3A_183 : i1 to vector<512x32xi1>
    %ne3A_185 = vector.broadcast %ne3A_184 : vector<512x32xi1> to vector<512x32xi1>
    %ne3A_186 = arith.xori %lt3A_181, %ne3A_185 : vector<512x32xi1>
    %and3A_187 = arith.andi %ne3A_186, %ne3A_178 : vector<512x32xi1>
    %add3A_188 = vector.broadcast %select_n3A_173 : i32 to vector<512x32xi32>
    %add3A_189 = arith.addi %rem3A_175, %add3A_188 : vector<512x32xi32>
    %select_n3A_190 = arith.select %and3A_187, %add3A_189, %rem3A_175 : vector<512x32xi1>, vector<512x32xi32>
    %eq3A_191 = arith.cmpi eq, %select_n3A_190, %iota3A_168 : vector<512x32xi32>
    %jit3A_192 = arith.constant 1.000000e+00 : f32
    %jit3A_193 = arith.constant 0.000000e+00 : f32
    %broadcast_in_dim3A_194 = vector.broadcast %jit3A_192 : f32 to vector<512x32xf32>
    %broadcast_in_dim3A_195 = vector.broadcast %jit3A_193 : f32 to vector<512x32xf32>
    %select_n3A_196 = arith.select %eq3A_191, %broadcast_in_dim3A_194, %broadcast_in_dim3A_195 : vector<512x32xi1>, vector<512x32xf32>
    %slice3A = vector.extract_strided_slice %dot_general3A_133 {offsets = [0, 0], sizes = [2000, 32], strides = [1, 1]} : vector<2000x128xf32> to vector<2000x32xf32>
    %concatenate3A_197 = tpu.concatenate %slice3A, %slice3A, %slice3A, %slice3A, %slice3A, %slice3A, %slice3A, %slice3A, %slice3A, %slice3A, %slice3A, %slice3A, %slice3A, %slice3A, %slice3A, %slice3A in 1 : vector<2000x32xf32>, vector<2000x32xf32>, vector<2000x32xf32>, vector<2000x32xf32>, vector<2000x32xf32>, vector<2000x32xf32>, vector<2000x32xf32>, vector<2000x32xf32>, vector<2000x32xf32>, vector<2000x32xf32>, vector<2000x32xf32>, vector<2000x32xf32>, vector<2000x32xf32>, vector<2000x32xf32>, vector<2000x32xf32>, vector<2000x32xf32> -> vector<2000x512xf32>
    %mul3A_198 = arith.mulf %concatenate3A_197, %concatenate3A_197 : vector<2000x512xf32>
    %div3A_199 = vector.broadcast %mul3A_166 : vector<1x512xf32> to vector<2000x512xf32>
    %div3A_200 = arith.divf %div3A_199, %mul3A_198 : vector<2000x512xf32>
    %sub3A_201 = arith.constant 1.000000e+00 : f32
    %sub3A_202 = vector.broadcast %sub3A_201 : f32 to vector<2000x512xf32>
    %sub3A_203 = arith.subf %sub3A_202, %div3A_200 : vector<2000x512xf32>
    %max3A = arith.constant 0.000000e+00 : f32
    %max3A_204 = vector.broadcast %max3A : f32 to vector<2000x512xf32>
    %max3A_205 = arith.maximumf %sub3A_203, %max3A_204 : vector<2000x512xf32>
    %mul3A_206 = arith.mulf %max3A_205, %get3A_4 : vector<2000x512xf32>
    %dot_general3A_207 = arith.constant dense<0.000000e+00> : vector<2000x32xf32>
    %dot_general3A_208 = tpu.matmul %mul3A_206, %select_n3A_196, %dot_general3A_207 {dimension_numbers = #tpu.dot_dimension_numbers<[1], [0], [0], [1], [0, 0, 1, 1], [], []>, transpose_lhs_hint = false} : vector<2000x512xf32>, vector<512x32xf32>, vector<2000x32xf32> -> vector<2000x32xf32>
    %floor3A = math.floor %slice3A : vector<2000x32xf32>
    %add3A_209 = arith.constant 1.000000e+00 : f32
    %add3A_210 = vector.broadcast %add3A_209 : f32 to vector<2000x32xf32>
    %add3A_211 = arith.addf %floor3A, %add3A_210 : vector<2000x32xf32>
    %min3A = arith.constant 1.600000e+01 : f32
    %min3A_212 = vector.broadcast %min3A : f32 to vector<2000x32xf32>
    %min3A_213 = arith.minimumf %add3A_211, %min3A_212 : vector<2000x32xf32>
    %sub3A_214 = arith.constant 1.000000e+00 : f32
    %sub3A_215 = vector.broadcast %sub3A_214 : f32 to vector<2000x32xf32>
    %sub3A_216 = arith.subf %min3A_213, %sub3A_215 : vector<2000x32xf32>
    %mul3A_217 = arith.mulf %sub3A_216, %min3A_213 : vector<2000x32xf32>
    %mul3A_218 = arith.constant 2.000000e+00 : f32
    %mul3A_219 = vector.broadcast %mul3A_218 : f32 to vector<2000x32xf32>
    %mul3A_220 = arith.mulf %mul3A_219, %min3A_213 : vector<2000x32xf32>
    %sub3A_221 = arith.constant 1.000000e+00 : f32
    %sub3A_222 = vector.broadcast %sub3A_221 : f32 to vector<2000x32xf32>
    %sub3A_223 = arith.subf %mul3A_220, %sub3A_222 : vector<2000x32xf32>
    %mul3A_224 = arith.mulf %mul3A_217, %sub3A_223 : vector<2000x32xf32>
    %div3A_225 = arith.constant 6.000000e+00 : f32
    %div3A_226 = vector.broadcast %div3A_225 : f32 to vector<2000x32xf32>
    %div3A_227 = arith.divf %mul3A_224, %div3A_226 : vector<2000x32xf32>
    %mul3A_228 = arith.mulf %slice3A, %slice3A : vector<2000x32xf32>
    %div3A_229 = arith.divf %div3A_227, %mul3A_228 : vector<2000x32xf32>
    %sub3A_230 = arith.subf %min3A_213, %div3A_229 : vector<2000x32xf32>
    %div3A_231 = arith.divf %dot_general3A_208, %sub3A_230 : vector<2000x32xf32>
    %slice3A_232 = vector.extract_strided_slice %get3A_1 {offsets = [0, 0], sizes = [1, 32], strides = [1, 1]} : vector<4x32xf32> to vector<1x32xf32>
    %mul3A_233 = vector.broadcast %slice3A_232 : vector<1x32xf32> to vector<2000x32xf32>
    %mul3A_234 = arith.mulf %div3A_231, %mul3A_233 : vector<2000x32xf32>
    %reduce_sum3A = arith.constant dense<0.000000e+00> : vector<2000xf32>
    %reduce_sum3A_235 = vector.multi_reduction <add>, %mul3A_234, %reduce_sum3A [1] : vector<2000x32xf32> to vector<2000xf32>
    %broadcast_in_dim3A_236 = vector.shape_cast %reduce_sum3A_235 : vector<2000xf32> to vector<2000x1xf32>
    %slice3A_237 = vector.extract_strided_slice %dot_general3A_133 {offsets = [0, 32], sizes = [2000, 32], strides = [1, 1]} : vector<2000x128xf32> to vector<2000x32xf32>
    %concatenate3A_238 = tpu.concatenate %slice3A_237, %slice3A_237, %slice3A_237, %slice3A_237, %slice3A_237, %slice3A_237, %slice3A_237, %slice3A_237, %slice3A_237, %slice3A_237, %slice3A_237, %slice3A_237, %slice3A_237, %slice3A_237, %slice3A_237, %slice3A_237 in 1 : vector<2000x32xf32>, vector<2000x32xf32>, vector<2000x32xf32>, vector<2000x32xf32>, vector<2000x32xf32>, vector<2000x32xf32>, vector<2000x32xf32>, vector<2000x32xf32>, vector<2000x32xf32>, vector<2000x32xf32>, vector<2000x32xf32>, vector<2000x32xf32>, vector<2000x32xf32>, vector<2000x32xf32>, vector<2000x32xf32>, vector<2000x32xf32> -> vector<2000x512xf32>
    %mul3A_239 = arith.mulf %concatenate3A_238, %concatenate3A_238 : vector<2000x512xf32>
    %div3A_240 = vector.broadcast %mul3A_166 : vector<1x512xf32> to vector<2000x512xf32>
    %div3A_241 = arith.divf %div3A_240, %mul3A_239 : vector<2000x512xf32>
    %sub3A_242 = arith.constant 1.000000e+00 : f32
    %sub3A_243 = vector.broadcast %sub3A_242 : f32 to vector<2000x512xf32>
    %sub3A_244 = arith.subf %sub3A_243, %div3A_241 : vector<2000x512xf32>
    %max3A_245 = arith.constant 0.000000e+00 : f32
    %max3A_246 = vector.broadcast %max3A_245 : f32 to vector<2000x512xf32>
    %max3A_247 = arith.maximumf %sub3A_244, %max3A_246 : vector<2000x512xf32>
    %mul3A_248 = arith.mulf %max3A_247, %get3A_4 : vector<2000x512xf32>
    %dot_general3A_249 = arith.constant dense<0.000000e+00> : vector<2000x32xf32>
    %dot_general3A_250 = tpu.matmul %mul3A_248, %select_n3A_196, %dot_general3A_249 {dimension_numbers = #tpu.dot_dimension_numbers<[1], [0], [0], [1], [0, 0, 1, 1], [], []>, transpose_lhs_hint = false} : vector<2000x512xf32>, vector<512x32xf32>, vector<2000x32xf32> -> vector<2000x32xf32>
    %floor3A_251 = math.floor %slice3A_237 : vector<2000x32xf32>
    %add3A_252 = arith.constant 1.000000e+00 : f32
    %add3A_253 = vector.broadcast %add3A_252 : f32 to vector<2000x32xf32>
    %add3A_254 = arith.addf %floor3A_251, %add3A_253 : vector<2000x32xf32>
    %min3A_255 = arith.constant 1.600000e+01 : f32
    %min3A_256 = vector.broadcast %min3A_255 : f32 to vector<2000x32xf32>
    %min3A_257 = arith.minimumf %add3A_254, %min3A_256 : vector<2000x32xf32>
    %sub3A_258 = arith.constant 1.000000e+00 : f32
    %sub3A_259 = vector.broadcast %sub3A_258 : f32 to vector<2000x32xf32>
    %sub3A_260 = arith.subf %min3A_257, %sub3A_259 : vector<2000x32xf32>
    %mul3A_261 = arith.mulf %sub3A_260, %min3A_257 : vector<2000x32xf32>
    %mul3A_262 = arith.constant 2.000000e+00 : f32
    %mul3A_263 = vector.broadcast %mul3A_262 : f32 to vector<2000x32xf32>
    %mul3A_264 = arith.mulf %mul3A_263, %min3A_257 : vector<2000x32xf32>
    %sub3A_265 = arith.constant 1.000000e+00 : f32
    %sub3A_266 = vector.broadcast %sub3A_265 : f32 to vector<2000x32xf32>
    %sub3A_267 = arith.subf %mul3A_264, %sub3A_266 : vector<2000x32xf32>
    %mul3A_268 = arith.mulf %mul3A_261, %sub3A_267 : vector<2000x32xf32>
    %div3A_269 = arith.constant 6.000000e+00 : f32
    %div3A_270 = vector.broadcast %div3A_269 : f32 to vector<2000x32xf32>
    %div3A_271 = arith.divf %mul3A_268, %div3A_270 : vector<2000x32xf32>
    %mul3A_272 = arith.mulf %slice3A_237, %slice3A_237 : vector<2000x32xf32>
    %div3A_273 = arith.divf %div3A_271, %mul3A_272 : vector<2000x32xf32>
    %sub3A_274 = arith.subf %min3A_257, %div3A_273 : vector<2000x32xf32>
    %div3A_275 = arith.divf %dot_general3A_250, %sub3A_274 : vector<2000x32xf32>
    %slice3A_276 = vector.extract_strided_slice %get3A_1 {offsets = [1, 0], sizes = [1, 32], strides = [1, 1]} : vector<4x32xf32> to vector<1x32xf32>
    %mul3A_277 = vector.broadcast %slice3A_276 : vector<1x32xf32> to vector<2000x32xf32>
    %mul3A_278 = arith.mulf %div3A_275, %mul3A_277 : vector<2000x32xf32>
    %reduce_sum3A_279 = arith.constant dense<0.000000e+00> : vector<2000xf32>
    %reduce_sum3A_280 = vector.multi_reduction <add>, %mul3A_278, %reduce_sum3A_279 [1] : vector<2000x32xf32> to vector<2000xf32>
    %broadcast_in_dim3A_281 = vector.shape_cast %reduce_sum3A_280 : vector<2000xf32> to vector<2000x1xf32>
    %slice3A_282 = vector.extract_strided_slice %dot_general3A_133 {offsets = [0, 64], sizes = [2000, 32], strides = [1, 1]} : vector<2000x128xf32> to vector<2000x32xf32>
    %concatenate3A_283 = tpu.concatenate %slice3A_282, %slice3A_282, %slice3A_282, %slice3A_282, %slice3A_282, %slice3A_282, %slice3A_282, %slice3A_282, %slice3A_282, %slice3A_282, %slice3A_282, %slice3A_282, %slice3A_282, %slice3A_282, %slice3A_282, %slice3A_282 in 1 : vector<2000x32xf32>, vector<2000x32xf32>, vector<2000x32xf32>, vector<2000x32xf32>, vector<2000x32xf32>, vector<2000x32xf32>, vector<2000x32xf32>, vector<2000x32xf32>, vector<2000x32xf32>, vector<2000x32xf32>, vector<2000x32xf32>, vector<2000x32xf32>, vector<2000x32xf32>, vector<2000x32xf32>, vector<2000x32xf32>, vector<2000x32xf32> -> vector<2000x512xf32>
    %mul3A_284 = arith.mulf %concatenate3A_283, %concatenate3A_283 : vector<2000x512xf32>
    %div3A_285 = vector.broadcast %mul3A_166 : vector<1x512xf32> to vector<2000x512xf32>
    %div3A_286 = arith.divf %div3A_285, %mul3A_284 : vector<2000x512xf32>
    %sub3A_287 = arith.constant 1.000000e+00 : f32
    %sub3A_288 = vector.broadcast %sub3A_287 : f32 to vector<2000x512xf32>
    %sub3A_289 = arith.subf %sub3A_288, %div3A_286 : vector<2000x512xf32>
    %max3A_290 = arith.constant 0.000000e+00 : f32
    %max3A_291 = vector.broadcast %max3A_290 : f32 to vector<2000x512xf32>
    %max3A_292 = arith.maximumf %sub3A_289, %max3A_291 : vector<2000x512xf32>
    %mul3A_293 = arith.mulf %max3A_292, %get3A_4 : vector<2000x512xf32>
    %dot_general3A_294 = arith.constant dense<0.000000e+00> : vector<2000x32xf32>
    %dot_general3A_295 = tpu.matmul %mul3A_293, %select_n3A_196, %dot_general3A_294 {dimension_numbers = #tpu.dot_dimension_numbers<[1], [0], [0], [1], [0, 0, 1, 1], [], []>, transpose_lhs_hint = false} : vector<2000x512xf32>, vector<512x32xf32>, vector<2000x32xf32> -> vector<2000x32xf32>
    %floor3A_296 = math.floor %slice3A_282 : vector<2000x32xf32>
    %add3A_297 = arith.constant 1.000000e+00 : f32
    %add3A_298 = vector.broadcast %add3A_297 : f32 to vector<2000x32xf32>
    %add3A_299 = arith.addf %floor3A_296, %add3A_298 : vector<2000x32xf32>
    %min3A_300 = arith.constant 1.600000e+01 : f32
    %min3A_301 = vector.broadcast %min3A_300 : f32 to vector<2000x32xf32>
    %min3A_302 = arith.minimumf %add3A_299, %min3A_301 : vector<2000x32xf32>
    %sub3A_303 = arith.constant 1.000000e+00 : f32
    %sub3A_304 = vector.broadcast %sub3A_303 : f32 to vector<2000x32xf32>
    %sub3A_305 = arith.subf %min3A_302, %sub3A_304 : vector<2000x32xf32>
    %mul3A_306 = arith.mulf %sub3A_305, %min3A_302 : vector<2000x32xf32>
    %mul3A_307 = arith.constant 2.000000e+00 : f32
    %mul3A_308 = vector.broadcast %mul3A_307 : f32 to vector<2000x32xf32>
    %mul3A_309 = arith.mulf %mul3A_308, %min3A_302 : vector<2000x32xf32>
    %sub3A_310 = arith.constant 1.000000e+00 : f32
    %sub3A_311 = vector.broadcast %sub3A_310 : f32 to vector<2000x32xf32>
    %sub3A_312 = arith.subf %mul3A_309, %sub3A_311 : vector<2000x32xf32>
    %mul3A_313 = arith.mulf %mul3A_306, %sub3A_312 : vector<2000x32xf32>
    %div3A_314 = arith.constant 6.000000e+00 : f32
    %div3A_315 = vector.broadcast %div3A_314 : f32 to vector<2000x32xf32>
    %div3A_316 = arith.divf %mul3A_313, %div3A_315 : vector<2000x32xf32>
    %mul3A_317 = arith.mulf %slice3A_282, %slice3A_282 : vector<2000x32xf32>
    %div3A_318 = arith.divf %div3A_316, %mul3A_317 : vector<2000x32xf32>
    %sub3A_319 = arith.subf %min3A_302, %div3A_318 : vector<2000x32xf32>
    %div3A_320 = arith.divf %dot_general3A_295, %sub3A_319 : vector<2000x32xf32>
    %slice3A_321 = vector.extract_strided_slice %get3A_1 {offsets = [2, 0], sizes = [1, 32], strides = [1, 1]} : vector<4x32xf32> to vector<1x32xf32>
    %mul3A_322 = vector.broadcast %slice3A_321 : vector<1x32xf32> to vector<2000x32xf32>
    %mul3A_323 = arith.mulf %div3A_320, %mul3A_322 : vector<2000x32xf32>
    %reduce_sum3A_324 = arith.constant dense<0.000000e+00> : vector<2000xf32>
    %reduce_sum3A_325 = vector.multi_reduction <add>, %mul3A_323, %reduce_sum3A_324 [1] : vector<2000x32xf32> to vector<2000xf32>
    %broadcast_in_dim3A_326 = vector.shape_cast %reduce_sum3A_325 : vector<2000xf32> to vector<2000x1xf32>
    %slice3A_327 = vector.extract_strided_slice %dot_general3A_133 {offsets = [0, 96], sizes = [2000, 32], strides = [1, 1]} : vector<2000x128xf32> to vector<2000x32xf32>
    %concatenate3A_328 = tpu.concatenate %slice3A_327, %slice3A_327, %slice3A_327, %slice3A_327, %slice3A_327, %slice3A_327, %slice3A_327, %slice3A_327, %slice3A_327, %slice3A_327, %slice3A_327, %slice3A_327, %slice3A_327, %slice3A_327, %slice3A_327, %slice3A_327 in 1 : vector<2000x32xf32>, vector<2000x32xf32>, vector<2000x32xf32>, vector<2000x32xf32>, vector<2000x32xf32>, vector<2000x32xf32>, vector<2000x32xf32>, vector<2000x32xf32>, vector<2000x32xf32>, vector<2000x32xf32>, vector<2000x32xf32>, vector<2000x32xf32>, vector<2000x32xf32>, vector<2000x32xf32>, vector<2000x32xf32>, vector<2000x32xf32> -> vector<2000x512xf32>
    %mul3A_329 = arith.mulf %concatenate3A_328, %concatenate3A_328 : vector<2000x512xf32>
    %div3A_330 = vector.broadcast %mul3A_166 : vector<1x512xf32> to vector<2000x512xf32>
    %div3A_331 = arith.divf %div3A_330, %mul3A_329 : vector<2000x512xf32>
    %sub3A_332 = arith.constant 1.000000e+00 : f32
    %sub3A_333 = vector.broadcast %sub3A_332 : f32 to vector<2000x512xf32>
    %sub3A_334 = arith.subf %sub3A_333, %div3A_331 : vector<2000x512xf32>
    %max3A_335 = arith.constant 0.000000e+00 : f32
    %max3A_336 = vector.broadcast %max3A_335 : f32 to vector<2000x512xf32>
    %max3A_337 = arith.maximumf %sub3A_334, %max3A_336 : vector<2000x512xf32>
    %mul3A_338 = arith.mulf %max3A_337, %get3A_4 : vector<2000x512xf32>
    %dot_general3A_339 = arith.constant dense<0.000000e+00> : vector<2000x32xf32>
    %dot_general3A_340 = tpu.matmul %mul3A_338, %select_n3A_196, %dot_general3A_339 {dimension_numbers = #tpu.dot_dimension_numbers<[1], [0], [0], [1], [0, 0, 1, 1], [], []>, transpose_lhs_hint = false} : vector<2000x512xf32>, vector<512x32xf32>, vector<2000x32xf32> -> vector<2000x32xf32>
    %floor3A_341 = math.floor %slice3A_327 : vector<2000x32xf32>
    %add3A_342 = arith.constant 1.000000e+00 : f32
    %add3A_343 = vector.broadcast %add3A_342 : f32 to vector<2000x32xf32>
    %add3A_344 = arith.addf %floor3A_341, %add3A_343 : vector<2000x32xf32>
    %min3A_345 = arith.constant 1.600000e+01 : f32
    %min3A_346 = vector.broadcast %min3A_345 : f32 to vector<2000x32xf32>
    %min3A_347 = arith.minimumf %add3A_344, %min3A_346 : vector<2000x32xf32>
    %sub3A_348 = arith.constant 1.000000e+00 : f32
    %sub3A_349 = vector.broadcast %sub3A_348 : f32 to vector<2000x32xf32>
    %sub3A_350 = arith.subf %min3A_347, %sub3A_349 : vector<2000x32xf32>
    %mul3A_351 = arith.mulf %sub3A_350, %min3A_347 : vector<2000x32xf32>
    %mul3A_352 = arith.constant 2.000000e+00 : f32
    %mul3A_353 = vector.broadcast %mul3A_352 : f32 to vector<2000x32xf32>
    %mul3A_354 = arith.mulf %mul3A_353, %min3A_347 : vector<2000x32xf32>
    %sub3A_355 = arith.constant 1.000000e+00 : f32
    %sub3A_356 = vector.broadcast %sub3A_355 : f32 to vector<2000x32xf32>
    %sub3A_357 = arith.subf %mul3A_354, %sub3A_356 : vector<2000x32xf32>
    %mul3A_358 = arith.mulf %mul3A_351, %sub3A_357 : vector<2000x32xf32>
    %div3A_359 = arith.constant 6.000000e+00 : f32
    %div3A_360 = vector.broadcast %div3A_359 : f32 to vector<2000x32xf32>
    %div3A_361 = arith.divf %mul3A_358, %div3A_360 : vector<2000x32xf32>
    %mul3A_362 = arith.mulf %slice3A_327, %slice3A_327 : vector<2000x32xf32>
    %div3A_363 = arith.divf %div3A_361, %mul3A_362 : vector<2000x32xf32>
    %sub3A_364 = arith.subf %min3A_347, %div3A_363 : vector<2000x32xf32>
    %div3A_365 = arith.divf %dot_general3A_340, %sub3A_364 : vector<2000x32xf32>
    %slice3A_366 = vector.extract_strided_slice %get3A_1 {offsets = [3, 0], sizes = [1, 32], strides = [1, 1]} : vector<4x32xf32> to vector<1x32xf32>
    %mul3A_367 = vector.broadcast %slice3A_366 : vector<1x32xf32> to vector<2000x32xf32>
    %mul3A_368 = arith.mulf %div3A_365, %mul3A_367 : vector<2000x32xf32>
    %reduce_sum3A_369 = arith.constant dense<0.000000e+00> : vector<2000xf32>
    %reduce_sum3A_370 = vector.multi_reduction <add>, %mul3A_368, %reduce_sum3A_369 [1] : vector<2000x32xf32> to vector<2000xf32>
    %broadcast_in_dim3A_371 = vector.shape_cast %reduce_sum3A_370 : vector<2000xf32> to vector<2000x1xf32>
    %concatenate3A_372 = tpu.concatenate %broadcast_in_dim3A_236, %broadcast_in_dim3A_281, %broadcast_in_dim3A_326, %broadcast_in_dim3A_371 in 1 : vector<2000x1xf32>, vector<2000x1xf32>, vector<2000x1xf32>, vector<2000x1xf32> -> vector<2000x4xf32>
    %swap3A = arith.constant 0 : index
    %swap3A_373 = arith.constant 0 : index
    %swap3A_374 = vector.load %arg4[%swap3A, %swap3A_373] : memref<2000x4xf32, #tpu.memory_space<vmem>>, vector<2000x4xf32>
    tpu.vector_store %arg4[%swap3A, %swap3A_373], %concatenate3A_372 {strides = array<i32>} : memref<2000x4xf32, #tpu.memory_space<vmem>>, vector<2000x4xf32>,
    return
  }
  func.func @transform_0(%arg0: i32) -> (i32, i32) {
    %c0_i32 = arith.constant 0 : i32
    %c0_i32_0 = arith.constant 0 : i32
    %c0_i32_1 = arith.constant 0 : i32
    return %c0_i32, %c0_i32_0 : i32, i32
  }
  func.func @transform_1(%arg0: i32) -> (i32, i32, i32) {
    %c0_i32 = arith.constant 0 : i32
    %c0_i32_0 = arith.constant 0 : i32
    %c0_i32_1 = arith.constant 0 : i32
    return %c0_i32, %arg0, %c0_i32_0 : i32, i32, i32
  }
  func.func @transform_2(%arg0: i32) -> (i32, i32) {
    %c0_i32 = arith.constant 0 : i32
    %c0_i32_0 = arith.constant 0 : i32
    return %arg0, %c0_i32 : i32, i32
  }
  func.func @transform_3(%arg0: i32) -> (i32, i32) {
    %c0_i32 = arith.constant 0 : i32
    %c0_i32_0 = arith.constant 0 : i32
    return %arg0, %c0_i32 : i32, i32
  }
}

</mosaic_0001>

<sc_bundles>
// kernel: kernel.6.cloned.1.call-start
scs
__scs_entry_jumppad:
0x0: {  	(pc) =	sbr.rel $0x88, $3  }
0x1: {  	(tag) =	ssettag $0x0;
	lr =	simm.s32 $0x1  }
0x2: {  	[smem:$0x3F9B] =	sst lr;
	_ =	strace $0xD0000000  }
0x3: {  	_ = 	snop  }
0x4: {  	_ = 	snop  }
0x5: {  	_ = 	snop  }
0x6: {  	_ = 	snop  }
0x7: {  	_ = 	snop  }
__scs_overlays_trampoline_lowered:
0x8: {  	[smem:$0x3FAA] =	sst s0  }
0x9: {  	[smem:$0x3FAB] =	sst s1  }
0xa: {  	[smem:$0x3FAC] =	sst s2  }
0xb: {  	[smem:$0x3FAD] =	sst s3  }
0xc: {  	[smem:$0x3FAE] =	sst s4  }
0xd: {  	[smem:$0x3FAF] =	sst s5  }
0xe: {  	[smem:$0x3FB0] =	sst s6  }
0xf: {  	[smem:$0x3FB1] =	sst s7  }
0x10: {  	[smem:$0x3FB2] =	sst s8  }
0x11: {  	[smem:$0x3FB3] =	sst s9;
	s0 =	simm.s32 @!p0 $0x0  }
0x12: {  	s1 =	sld [smem:$0x3F99];
	s0 =	simm.s32 @p0 $0x1  }
0x13: {  	[smem:$0x3FB4] =	sst s0;
	s0 =	simm.s32 @!p1 $0x0  }
0x14: {  	s2 =	sld [smem:$0x3F98];
	s0 =	simm.s32 @p1 $0x1  }
0x15: {  	[smem:$0x3FB5] =	sst s0;
	s0 =	simm.s32 @!p2 $0x0  }
0x16: {  	s3 =	sld [smem:$0x3FDB];
	s0 =	simm.s32 @p2 $0x1  }
0x17: {  	s4 =	simm.s32 $0x1BF5;
	[smem:$0x3FB7] =	sst s0  }
0x18: {  	s0 =	sld [smem:$0x3F9A];
	_ =	swait.ge [sflag:s4], $0x0  }
0x19: {  	s7 =	sld [smem:$0x3F9B]  }
0x1a: {  	s8 =	sadd.s32 $0xFFFFE003, lr  }
0x1b: {  	s9 =	sadd.s32 $0xFFFFFEF7, lr;
	s5 =	simm.s32 $0xFFFFFFFF;
	p2 =	slt.u32 s8, $0xFFFFF086  }
0x1c: {  	p1 =	slt.u32 s9, $0xF7A;
	s5 =	simm.s32 @!p2 $0x0  }
0x1d: {  	s5 =	simm.s32 @p1 $0x1;
	p0 =	seq.s32 s7, s2  }
0x1e: {  	s7 =	smul.u32 @!p0 $0xF7A, s2;
	p2 =	seq.s32 @!p0 s5, $0x0  }
0x1f: {  	s9 =	smul.u32 $0xF7A, s1;
	s8 =	simm.s32 @!p0 $0x1BF5;
	p2 =	por !p2, p0  }
0x20: {  	[sflag:s8] =	ssyncset.s32 @!p0 $0xFFFFF086;
	s6 =	sadd.s32 @!p0 s3, s7;
	s7 =	simm.s32 @!p0 $0x108  }
0x21: {  	s3 =	sadd.s32 s3, s9;
	s6 =	sadd.s32 @!p0 $0x88, s6;
	s7 =	simm.s32 @p2 $0x1082  }
0x22: {  	[simem:s7], [sflag:s8] =	dma.local @!p0 [hbm:s6], $0xF7A  }
0x23: {  	s9 =	sor.u32 $0xD0000000, s2;
	s6 =	simm.s32 $0x108;
	_ =	swait.ge @!p0 [sflag:s8], $0x0  }
0x24: {  	s3 =	sadd.s32 $0x88, s3;
	s6 =	simm.s32 @!p1 $0x1082;
	[sflag:s4] =	ssyncset.s32 $0xFFFFF086  }
0x25: {  	[simem:s6], [sflag:s4] =	dma.local [hbm:s3], $0xF7A  }
0x26: {  	[smem:$0x3F9B] =	sst s1;
	(tag) =	ssettag s2;
	_ =	strace s9  }
0x27: {  	s1 =	sld [smem:$0x3FAB]  }
0x28: {  	s2 =	sld [smem:$0x3FAC]  }
0x29: {  	s4 =	sld [smem:$0x3FAE]  }
0x2a: {  	p0 =	seq.s32 s5, $0x0;
	s5 =	sld [smem:$0x3FAF]  }
0x2b: {  	s6 =	sld [smem:$0x3FB0]  }
0x2c: {  	s7 =	sld [smem:$0x3FB1]  }
0x2d: {  	s3 =	simm.s32 $0x108;
	s8 =	sld [smem:$0x3FB2]  }
0x2e: {  	s3 =	simm.s32 @!p0 $0x1082;
	s9 =	sld [smem:$0x3FB3]  }
0x2f: {  	lr =	sadd.s32 s0, s3;
	s0 =	sld [smem:$0x3FAA]  }
0x30: {  	s3 =	sld [smem:$0x3FAD]  }
0x31: {  	[smem:$0x3FB6] =	sst s10  }
0x32: {  	s10 =	sld [smem:$0x3FB4];
	_ =	sdelay $0x3  }
0x33: {  	p0 =	seq.s32 s10, $0x1;
	s10 =	sld [smem:$0x3FB6];
	_ =	sdelay $0x3  }
0x34: {  	[smem:$0x3FB6] =	sst s10  }
0x35: {  	s10 =	sld [smem:$0x3FB5];
	_ =	sdelay $0x3  }
0x36: {  	p1 =	seq.s32 s10, $0x1;
	s10 =	sld [smem:$0x3FB6];
	_ =	sdelay $0x3  }
0x37: {  	[smem:$0x3FB6] =	sst s10  }
0x38: {  	s10 =	sld [smem:$0x3FB7]  }
0x39: {  	_ = 	snop;
	(pc) =	sbr.ind lr, $3  }
0x3a: {  	_ = 	snop  }
0x3b: {  	_ = 	snop  }
0x3c: {  	p2 =	seq.s32 s10, $0x1;
	s10 =	sld [smem:$0x3FB6]  }
0x3d: {  	_ =	shalt  }
0x3e: {  	_ =	shalt  }
0x3f: {  	_ =	shalt  }
0x40: {  	_ =	shalt  }
0x41: {  	_ =	shalt  }
0x42: {  	_ =	shalt  }
0x43: {  	_ =	shalt  }
0x44: {  	_ =	shalt  }
0x45: {  	_ =	shalt  }
0x46: {  	_ =	shalt  }
0x47: {  	_ =	shalt  }
0x48: {  	_ =	shalt  }
0x49: {  	_ =	shalt  }
0x4a: {  	_ =	shalt  }
0x4b: {  	_ =	shalt  }
0x4c: {  	_ =	shalt  }
0x4d: {  	_ =	shalt  }
0x4e: {  	_ =	shalt  }
0x4f: {  	_ =	shalt  }
0x50: {  	_ =	shalt  }
0x51: {  	_ =	shalt  }
0x52: {  	_ =	shalt  }
0x53: {  	_ =	shalt  }
0x54: {  	_ =	shalt  }
0x55: {  	_ =	shalt  }
0x56: {  	_ =	shalt  }
0x57: {  	_ =	shalt  }
0x58: {  	_ =	shalt  }
0x59: {  	_ =	shalt  }
0x5a: {  	_ =	shalt  }
0x5b: {  	_ =	shalt  }
0x5c: {  	_ =	shalt  }
0x5d: {  	_ =	shalt  }
0x5e: {  	_ =	shalt  }
0x5f: {  	_ =	shalt  }
0x60: {  	_ =	shalt  }
0x61: {  	_ =	shalt  }
0x62: {  	_ =	shalt  }
0x63: {  	_ =	shalt  }
0x64: {  	_ =	shalt  }
0x65: {  	_ =	shalt  }
0x66: {  	_ =	shalt  }
0x67: {  	_ =	shalt  }
0x68: {  	_ =	shalt  }
0x69: {  	_ =	shalt  }
0x6a: {  	_ =	shalt  }
0x6b: {  	_ =	shalt  }
0x6c: {  	_ =	shalt  }
0x6d: {  	_ =	shalt  }
0x6e: {  	_ =	shalt  }
0x6f: {  	_ =	shalt  }
0x70: {  	_ =	shalt  }
0x71: {  	_ =	shalt  }
0x72: {  	_ =	shalt  }
0x73: {  	_ =	shalt  }
0x74: {  	_ =	shalt  }
0x75: {  	_ =	shalt  }
0x76: {  	_ =	shalt  }
0x77: {  	_ =	shalt  }
0x78: {  	_ =	shalt  }
0x79: {  	_ =	shalt  }
0x7a: {  	_ =	shalt  }
0x7b: {  	_ =	shalt  }
0x7c: {  	_ =	shalt  }
0x7d: {  	_ =	shalt  }
0x7e: {  	_ =	shalt  }
0x7f: {  	_ =	shalt  }
0x80: {  	_ =	shalt  }
0x81: {  	_ =	shalt  }
0x82: {  	_ =	shalt  }
0x83: {  	_ =	shalt  }
0x84: {  	_ =	shalt  }
0x85: {  	_ =	shalt  }
0x86: {  	_ =	shalt  }
0x87: {  	_ =	shalt  }
.Lfunc_end0:
.L_simem_size_0:
called_computation_lowered:
.L_overlay_start_0:
0x88: {  	s2 =	sld [smem:$0x3FD9]  }
0x89: {  	s3 =	sld [smem:$0x3FFE];
	_ =	sdelay $0x1  }
0x8a: {  	s1 =	srdreg.scid  }
0x8b: {  	s0 =	sand.u32 $0x1, s1  }
0x8c: {  	s16 =	sshll.u32 s0, $0xA;
	s2 =	sadd.s32 s3, s2  }
0x8d: {  	s2 =	sadd.s32 s2, s16  }
0x8e: {  	[smem:$0x3FC2] =	sst s2  }
0x8f: {  	_ = 	snop  }
0x90: {  	(tm) =	ssettm $0x1  }
0x91: {  	s17 =	sld [smem:$0x3FFB];
	_ =	sdelay $0x3  }
0x92: {  	_ =	strace s17  }
0x93: {  	s2 =	sld [smem:$0x3FFC];
	_ =	sdelay $0x3  }
0x94: {  	_ =	strace s2  }
0x95: {  	s2 =	sld [smem:$0x3FFD];
	_ =	sdelay $0x3  }
0x96: {  	_ =	strace s2  }
0x97: {  	_ =	strace $0x8FFFFFFF  }
0x98: {  	s18 =	sld [smem:$0x3FDB];
	_ =	sdelay $0x1  }
0x99: {  	s19 =	simm.s32 $_scs_section_size  }
0x9a: {  	s4 =	simm.s32 $_size__tile_overlayer_lowered;
	s5 =	simm.s32 $_tile_overlayer_lowered  }
0x9b: {  	s22 =	simm.s32 $0x1BFF;
	s21 =	sshll.u32 s5, $0x1;
	s2 =	sadd.s32 s19, s18  }
0x9c: {  	s6 =	simm.s32 $0x0;
	s20 =	sshll.u32 s4, $0x1;
	s4 =	sadd.s32 s21, s2  }
0x9d: {  	[timem:s6], [sflag:s22] =	dma.local [hbm:s4], s20  }
0x9e: {  	_ =	swait.ge [sflag:s22], s20  }
0x9f: {  	s3 =	ssub.s32 $0x0, s20;
	[sflag:s22] =	ssyncset.done $0x0  }
0xa0: {  	[sflag:s22] =	ssyncadd.s32 s3;
	_ =	sdelay $0x1  }
0xa1: {  	s23 =	simm.s32 $0x1B8B  }
0xa2: {  	_ =	swait.ge [sflag:s23], $0x1  }
0xa3: {  	[sflag:s23] =	ssyncset.done $0x0  }
0xa4: {  	s25 =	simm.s32 $0x1B8E;
	s24 =	sld [smem:$0x3FFE];
	[sflag:s23] =	ssyncadd.s32 $0xFFFFFFFF  }
0xa5: {  	s26 =	simm.s32 $execute0_lowered;
	[smem:$0x3FD2] =	sst s25  }
0xa6: {  	s4 =	sshll.u32 s26, $0x1;
	_ =	strace $0x80000046;
	[dreg:$0x1] =	wrdreg $0xFFFFFFFF  }
0xa7: {  	s28 =	simm.s32 $_size_execute0_lowered;
	s2 =	sadd.s32 s2, s4;
	[dreg:$0x0] =	wrdreg $0x0  }
0xa8: {  	s4 =	sshll.u32 s28, $0x1;
	[dreg:$0x2] =	wrdreg s2  }
0xa9: {  	[dreg:$0x3] =	wrdreg s4  }
0xaa: {  	[dreg:$0x4] =	wrdreg $0xC0  }
0xab: {  	_ =	task [dreg:s6], $0x5FFFF  }
0xac: {  	[dreg:$0x1] =	wrdreg $0xFFFFFFFF  }
0xad: {  	[dreg:$0x0] =	wrdreg $0x60  }
0xae: {  	[dreg:$0x2] =	wrdreg s24  }
0xaf: {  	[dreg:$0x3] =	wrdreg $0x9  }
0xb0: {  	_ =	task.clear_ibuf [dreg:s6], $0x4FFFF;
	_ =	strace $0x90000046  }
0xb1: {  	s29 =	simm.s32 $0x9;
	_ =	strace $0x80000048  }
0xb2: {  	_ =	swait.ge [sflag:s29], $0x1  }
0xb3: {  	[sflag:s29] =	ssyncadd.s32 $0xFFFFFFFF  }
0xb4: {  	_ =	strace $0x90000048  }
0xb5: {  	_ =	sfence  }
0xb6: {  	s30 =	sld [smem:$0x0];
	_ =	sdelay $0x2  }
0xb7: {  	s31 =	sshll.u32 s1, $0xD;
	s1 =	sshrl.u32 s1, $0x2  }
0xb8: {  	s3 =	sand.u32 $0x4000, s31;
	s1 =	sadd.s32 s1, s30  }
0xb9: {  	s0 =	sor.u32 s3, s0;
	s1 =	sshll.u32 s1, $0x11  }
0xba: {  	s0 =	sor.u32 s1, s0  }
0xbb: {  	s0 =	sadd.s32 $0x8F2B, s0  }
0xbc: {  	[sflag:s0] =	ssyncadd.remote.s32 $0x1  }
0xbd: {  	_ =	sfence.sel $0xFFFF  }
0xbe: {  	[dreg:$0x0] =	wrdreg $0xFFFFFFFF;
	(pc) =	sbr.abs _section_cstart, $3  }
0xbf: {  	[dreg:$0x1] =	wrdreg $0xFFFFFFFF  }
0xc0: {  	_ =	task.clear_ibuf [dreg:s6], $0x2FFFF;
	_ =	strace $0x9FFFFFFF  }
0xc1: {  	(tm) =	ssettm $0x7FFFFFFF  }
tec
execute0_lowered:
.L_overlay_start_1:
0x0: {  	(tag) =	ssettag $0x1  }
0x1: {  	s1 =	srdreg.scid;
	s0 =	stileid.u32  }
0x2: {  	s16 =	sand.u32 $0x1, s1;
	s26 =	sshll.u32 s0, $0x1  }
0x3: {  	s8 =	sor.u32 s16, s26  }
0x4: {  	s9 =	rddreg [dreg:$0x0];
	s17 =	smul.u32 $0x1388, s8  }
0x5: {  	s2 =	simm.s32 $0x0;
	s1 =	rddreg [dreg:$0x1]  }
0x6: {  	[smem:$0x7FF] =	sst s2;
	s15 =	sadd.s32 $0xE00, s9;
	s3 =	sshrl.u32 s17, $0x3  }
0x7: {  	_ =	strace $0x80000047;
	s4 =	sadd.s32 s15, s3;
	s3 =	simm.s32 $0x2  }
0x8: {  	[tilespmem:s2], [sflag:$0x2] =	stream.linear.gather [hbm4b:s4+s2], $0x3E8, $0x38;
	[tilespmem:$0x80E8] =	vst v63  }
0x9: {  	_ =	swait.ge [sflag:s3], $0x3E8  }
0xa: {  	s6 =	simm.s32 $0x3E8;
	[sflag:s3] =	ssyncset.done $0x0  }
0xb: {  	s7 =	simm.s32 $0x1;
	s5 =	sadd.s32 $0x5E00, s9;
	[sflag:s3] =	ssyncadd.s32 $0xFFFFFC18  }
0xc: {  	[tilespmem:s6], [sflag:$0x1] =	stream.indirect.gather [hbm4b:s5+s6], $0x20, s2, s6, $0xb8;
	[tilespmem:$0x80E8] =	vst v63  }
0xd: {  	s8 =	smul.u32 $0x4E20, s8;
	_ =	swait.ge [sflag:s7], $0x7D00  }
0xe: {  	s18 =	sadd.s32 $0xFC00, s9;
	[sflag:s7] =	ssyncset.done $0x0  }
0xf: {  	s8 =	sadd.s32 s18, s8;
	[sflag:s7] =	ssyncadd.s32 $0xFFFF8300  }
0x10: {  	[hbm4b:s8+s2] =	stream.linear.scatter [tilespmem:s6], [sflag:$0x2], $0x7D00, $0x38;
	[tilespmem:$0x80E8] =	vst v63  }
0x11: {  	s10 =	sadd.s32 $0x3E8, s17;
	_ =	swait.ge [sflag:s3], $0x7D00  }
0x12: {  	s28 =	sshrl.u32 s10, $0x3;
	[sflag:s3] =	ssyncset.done $0x0  }
0x13: {  	s9 =	sadd.s32 s15, s28;
	[sflag:s3] =	ssyncadd.s32 $0xFFFF8300  }
0x14: {  	[tilespmem:s2], [sflag:$0x2] =	stream.linear.gather [hbm4b:s9+s2], $0x3E8, $0x38;
	[tilespmem:$0x80E8] =	vst v63  }
0x15: {  	_ =	swait.ge [sflag:s3], $0x3E8  }
0x16: {  	[sflag:s3] =	ssyncset.done $0x0  }
0x17: {  	[sflag:s3] =	ssyncadd.s32 $0xFFFFFC18  }
0x18: {  	[tilespmem:s6], [sflag:$0x1] =	stream.indirect.gather [hbm4b:s5+s6], $0x20, s2, s6, $0xb8;
	[tilespmem:$0x80E8] =	vst v63  }
0x19: {  	_ =	swait.ge [sflag:s7], $0x7D00  }
0x1a: {  	s10 =	sshll.u32 s10, $0x2;
	[sflag:s7] =	ssyncset.done $0x0  }
0x1b: {  	s10 =	sadd.s32 s18, s10;
	[sflag:s7] =	ssyncadd.s32 $0xFFFF8300  }
0x1c: {  	[hbm4b:s10+s2] =	stream.linear.scatter [tilespmem:s6], [sflag:$0x2], $0x7D00, $0x38;
	[tilespmem:$0x80E8] =	vst v63  }
0x1d: {  	s12 =	sadd.s32 $0x7D0, s17;
	_ =	swait.ge [sflag:s3], $0x7D00  }
0x1e: {  	s11 =	sshrl.u32 s12, $0x3;
	[sflag:s3] =	ssyncset.done $0x0  }
0x1f: {  	s11 =	sadd.s32 s15, s11;
	[sflag:s3] =	ssyncadd.s32 $0xFFFF8300  }
0x20: {  	[tilespmem:s2], [sflag:$0x2] =	stream.linear.gather [hbm4b:s11+s2], $0x3E8, $0x38;
	[tilespmem:$0x80E8] =	vst v63  }
0x21: {  	_ =	swait.ge [sflag:s3], $0x3E8  }
0x22: {  	[sflag:s3] =	ssyncset.done $0x0  }
0x23: {  	[sflag:s3] =	ssyncadd.s32 $0xFFFFFC18  }
0x24: {  	[tilespmem:s6], [sflag:$0x1] =	stream.indirect.gather [hbm4b:s5+s6], $0x20, s2, s6, $0xb8;
	[tilespmem:$0x80E8] =	vst v63  }
0x25: {  	_ =	swait.ge [sflag:s7], $0x7D00  }
0x26: {  	s12 =	sshll.u32 s12, $0x2;
	[sflag:s7] =	ssyncset.done $0x0  }
0x27: {  	s12 =	sadd.s32 s18, s12;
	[sflag:s7] =	ssyncadd.s32 $0xFFFF8300  }
0x28: {  	[hbm4b:s12+s2] =	stream.linear.scatter [tilespmem:s6], [sflag:$0x2], $0x7D00, $0x38;
	[tilespmem:$0x80E8] =	vst v63  }
0x29: {  	s14 =	sadd.s32 $0xBB8, s17;
	_ =	swait.ge [sflag:s3], $0x7D00  }
0x2a: {  	s13 =	sshrl.u32 s14, $0x3;
	[sflag:s3] =	ssyncset.done $0x0  }
0x2b: {  	s13 =	sadd.s32 s15, s13;
	[sflag:s3] =	ssyncadd.s32 $0xFFFF8300  }
0x2c: {  	[tilespmem:s2], [sflag:$0x2] =	stream.linear.gather [hbm4b:s13+s2], $0x3E8, $0x38;
	[tilespmem:$0x80E8] =	vst v63  }
0x2d: {  	_ =	swait.ge [sflag:s3], $0x3E8  }
0x2e: {  	[sflag:s3] =	ssyncset.done $0x0  }
0x2f: {  	[sflag:s3] =	ssyncadd.s32 $0xFFFFFC18  }
0x30: {  	[tilespmem:s6], [sflag:$0x1] =	stream.indirect.gather [hbm4b:s5+s6], $0x20, s2, s6, $0xb8;
	[tilespmem:$0x80E8] =	vst v63  }
0x31: {  	_ =	swait.ge [sflag:s7], $0x7D00  }
0x32: {  	s14 =	sshll.u32 s14, $0x2;
	[sflag:s7] =	ssyncset.done $0x0  }
0x33: {  	s14 =	sadd.s32 s18, s14;
	[sflag:s7] =	ssyncadd.s32 $0xFFFF8300  }
0x34: {  	[hbm4b:s14+s2] =	stream.linear.scatter [tilespmem:s6], [sflag:$0x2], $0x7D00, $0x38;
	[tilespmem:$0x80E8] =	vst v63  }
0x35: {  	s17 =	sadd.s32 $0xFA0, s17;
	_ =	swait.ge [sflag:s3], $0x7D00  }
0x36: {  	s19 =	sshrl.u32 s17, $0x3;
	[sflag:s3] =	ssyncset.done $0x0  }
0x37: {  	s16 =	ssub.s32 $0x2, s16;
	s15 =	sadd.s32 s15, s19;
	[sflag:s3] =	ssyncadd.s32 $0xFFFF8300  }
0x38: {  	[tilespmem:s2], [sflag:$0x2] =	stream.linear.gather [hbm4b:s15+s2], $0x3E8, $0x38;
	[tilespmem:$0x80E8] =	vst v63  }
0x39: {  	s29 =	sshrl.u32 s16, $0x1;
	_ =	swait.ge [sflag:s3], $0x3E8  }
0x3a: {  	s19 =	ssub.s32 s16, s29;
	[sflag:s3] =	ssyncset.done $0x0  }
0x3b: {  	s31 =	smax.u32 s19, $0x1;
	[sflag:s3] =	ssyncadd.s32 $0xFFFFFC18  }
0x3c: {  	[tilespmem:s6], [sflag:$0x1] =	stream.indirect.gather [hbm4b:s5+s6], $0x20, s2, s6, $0xb8;
	[tilespmem:$0x80E8] =	vst v63  }
0x3d: {  	p0 =	sne.s32 s31, $0x1;
	_ =	swait.ge [sflag:s7], $0x7D00  }
.Ltmp0:
0x3e: {  	s30 =	sshll.u32 s17, $0x2;
	[sflag:s7] =	ssyncset.done $0x0;
	(pc) =	sbr.rel @!p0 .LBB2_2-.Ltmp0, $4  }
0x3f: {  	s16 =	sadd.s32 s18, s30;
	[sflag:s7] =	ssyncadd.s32 $0xFFFF8300  }
0x40: {  	[hbm4b:s16+s2] =	stream.linear.scatter [tilespmem:s6], [sflag:$0x2], $0x7D00, $0x38;
	[tilespmem:$0x80E8] =	vst v63  }
0x41: {  	_ =	swait.ge [sflag:s3], $0x7D00  }
0x42: {  	s17 =	sadd.s32 $0xFFFFFFFF, s31;
	[sflag:s3] =	ssyncset.done $0x0  }
.LBB2_1:
0x43: {  	p0 =	sne.s32 s17, $0x1;
	s17 =	sadd.s32 $0xFFFFFFFF, s17;
	[sflag:s3] =	ssyncadd.s32 $0xFFFF8300  }
0x44: {  	[tilespmem:s2], [sflag:$0x2] =	stream.linear.gather [hbm4b:s4+s2], $0x3E8, $0x38;
	[tilespmem:$0x80E8] =	vst v63  }
0x45: {  	_ =	swait.ge [sflag:s3], $0x3E8  }
0x46: {  	[sflag:s3] =	ssyncset.done $0x0  }
0x47: {  	[sflag:s3] =	ssyncadd.s32 $0xFFFFFC18  }
0x48: {  	[tilespmem:s6], [sflag:$0x1] =	stream.indirect.gather [hbm4b:s5+s6], $0x20, s2, s6, $0xb8;
	[tilespmem:$0x80E8] =	vst v63  }
0x49: {  	_ =	swait.ge [sflag:s7], $0x7D00  }
0x4a: {  	[sflag:s7] =	ssyncset.done $0x0  }
0x4b: {  	[sflag:s7] =	ssyncadd.s32 $0xFFFF8300  }
0x4c: {  	[hbm4b:s8+s2] =	stream.linear.scatter [tilespmem:s6], [sflag:$0x2], $0x7D00, $0x38;
	[tilespmem:$0x80E8] =	vst v63  }
0x4d: {  	_ =	swait.ge [sflag:s3], $0x7D00  }
0x4e: {  	[sflag:s3] =	ssyncset.done $0x0  }
0x4f: {  	[sflag:s3] =	ssyncadd.s32 $0xFFFF8300  }
0x50: {  	[tilespmem:s2], [sflag:$0x2] =	stream.linear.gather [hbm4b:s9+s2], $0x3E8, $0x38;
	[tilespmem:$0x80E8] =	vst v63  }
0x51: {  	_ =	swait.ge [sflag:s3], $0x3E8  }
0x52: {  	[sflag:s3] =	ssyncset.done $0x0  }
0x53: {  	[sflag:s3] =	ssyncadd.s32 $0xFFFFFC18  }
0x54: {  	[tilespmem:s6], [sflag:$0x1] =	stream.indirect.gather [hbm4b:s5+s6], $0x20, s2, s6, $0xb8;
	[tilespmem:$0x80E8] =	vst v63  }
0x55: {  	_ =	swait.ge [sflag:s7], $0x7D00  }
0x56: {  	[sflag:s7] =	ssyncset.done $0x0  }
0x57: {  	[sflag:s7] =	ssyncadd.s32 $0xFFFF8300  }
0x58: {  	[hbm4b:s10+s2] =	stream.linear.scatter [tilespmem:s6], [sflag:$0x2], $0x7D00, $0x38;
	[tilespmem:$0x80E8] =	vst v63  }
0x59: {  	_ =	swait.ge [sflag:s3], $0x7D00  }
0x5a: {  	[sflag:s3] =	ssyncset.done $0x0  }
0x5b: {  	[sflag:s3] =	ssyncadd.s32 $0xFFFF8300  }
0x5c: {  	[tilespmem:s2], [sflag:$0x2] =	stream.linear.gather [hbm4b:s11+s2], $0x3E8, $0x38;
	[tilespmem:$0x80E8] =	vst v63  }
0x5d: {  	_ =	swait.ge [sflag:s3], $0x3E8  }
0x5e: {  	[sflag:s3] =	ssyncset.done $0x0  }
0x5f: {  	[sflag:s3] =	ssyncadd.s32 $0xFFFFFC18  }
0x60: {  	[tilespmem:s6], [sflag:$0x1] =	stream.indirect.gather [hbm4b:s5+s6], $0x20, s2, s6, $0xb8;
	[tilespmem:$0x80E8] =	vst v63  }
0x61: {  	_ =	swait.ge [sflag:s7], $0x7D00  }
0x62: {  	[sflag:s7] =	ssyncset.done $0x0  }
0x63: {  	[sflag:s7] =	ssyncadd.s32 $0xFFFF8300  }
0x64: {  	[hbm4b:s12+s2] =	stream.linear.scatter [tilespmem:s6], [sflag:$0x2], $0x7D00, $0x38;
	[tilespmem:$0x80E8] =	vst v63  }
0x65: {  	_ =	swait.ge [sflag:s3], $0x7D00  }
0x66: {  	[sflag:s3] =	ssyncset.done $0x0  }
0x67: {  	[sflag:s3] =	ssyncadd.s32 $0xFFFF8300  }
0x68: {  	[tilespmem:s2], [sflag:$0x2] =	stream.linear.gather [hbm4b:s13+s2], $0x3E8, $0x38;
	[tilespmem:$0x80E8] =	vst v63  }
0x69: {  	_ =	swait.ge [sflag:s3], $0x3E8  }
0x6a: {  	[sflag:s3] =	ssyncset.done $0x0  }
0x6b: {  	[sflag:s3] =	ssyncadd.s32 $0xFFFFFC18  }
0x6c: {  	[tilespmem:s6], [sflag:$0x1] =	stream.indirect.gather [hbm4b:s5+s6], $0x20, s2, s6, $0xb8;
	[tilespmem:$0x80E8] =	vst v63  }
0x6d: {  	_ =	swait.ge [sflag:s7], $0x7D00  }
0x6e: {  	[sflag:s7] =	ssyncset.done $0x0  }
0x6f: {  	[sflag:s7] =	ssyncadd.s32 $0xFFFF8300  }
0x70: {  	[hbm4b:s14+s2] =	stream.linear.scatter [tilespmem:s6], [sflag:$0x2], $0x7D00, $0x38;
	[tilespmem:$0x80E8] =	vst v63  }
0x71: {  	_ =	swait.ge [sflag:s3], $0x7D00  }
0x72: {  	[sflag:s3] =	ssyncset.done $0x0  }
0x73: {  	[sflag:s3] =	ssyncadd.s32 $0xFFFF8300  }
0x74: {  	[tilespmem:s2], [sflag:$0x2] =	stream.linear.gather [hbm4b:s15+s2], $0x3E8, $0x38;
	[tilespmem:$0x80E8] =	vst v63  }
0x75: {  	_ =	swait.ge [sflag:s3], $0x3E8  }
0x76: {  	[sflag:s3] =	ssyncset.done $0x0  }
0x77: {  	[sflag:s3] =	ssyncadd.s32 $0xFFFFFC18  }
0x78: {  	[tilespmem:s6], [sflag:$0x1] =	stream.indirect.gather [hbm4b:s5+s6], $0x20, s2, s6, $0xb8;
	[tilespmem:$0x80E8] =	vst v63  }
0x79: {  	_ =	swait.ge [sflag:s7], $0x7D00  }
.Ltmp1:
0x7a: {  	[sflag:s7] =	ssyncset.done $0x0;
	(pc) =	sbr.rel @p0 .LBB2_1-.Ltmp1, $4  }
0x7b: {  	[sflag:s7] =	ssyncadd.s32 $0xFFFF8300  }
0x7c: {  	[hbm4b:s16+s2] =	stream.linear.scatter [tilespmem:s6], [sflag:$0x2], $0x7D00, $0x38;
	[tilespmem:$0x80E8] =	vst v63  }
0x7d: {  	_ =	swait.ge [sflag:s3], $0x7D00  }
0x7e: {  	[sflag:s3] =	ssyncset.done $0x0  }
.LBB2_2:
0x7f: {  	[sflag:s3] =	ssyncadd.s32 $0xFFFF8300  }
0x80: {  	_ =	sfence.sel $0x180000  }
0x81: {  	[bflag:$0x0] =	sbarrier.arrive $0xFFFF  }
0x82: {  	p0 =	sne.s32 s0, $0x0;
	_ =	strace $0x90000047  }
0x83: {  	s0 =	sadd.s32 @!p0 $0x100000, s1;
	[bflag:$0x2] =	sbarrier.arrive $0xFFFF  }
0x84: {  	[sflag:s0] =	ssyncadd.tile.s32 @!p0 $0x1;
	_ =	shalt  }
.Lfunc_end2:
_tile_overlayer_lowered:
.L_overlay_start_2:
0x85: {  	(tag) =	ssettag $0x2  }
0x86: {  	s0 =	rddreg [dreg:$0x0];
	s2 =	stileid.u32  }
0x87: {  	s1 =	rddreg [dreg:$0x1];
	p0 =	sne.s32 s2, $0x0  }
0x88: {  	s3 =	rddreg [dreg:$0x2];
	[bflag:$0x3] =	sbarrier.arrive $0xFFFF;
	s2 =	simm.s32 @!p0 $0x1C02  }
0x89: {  	[timem:s3], [sflag:s2] =	dma.local @!p0 [hbm:s0], s1  }
0x8a: {  	s0 =	simm.s32 @!p0 $0x2  }
0x8b: {  	_ =	swait.ge @!p0 [sflag:s0], s1  }
0x8c: {  	s1 =	ssub.s32 @!p0 $0x0, s1;
	[sflag:s0] =	ssyncset.done @!p0 $0x0  }
0x8d: {  	[sflag:s0] =	ssyncadd.s32 @!p0 s1  }
0x8e: {  	[bflag:$0x3] =	sbarrier.arrive $0xFFFF  }
0x8f: {  	_ =	shalt  }

</sc_bundles>
